<compile_context>
chip_gen: v7x
topology: tpu7x:2x2x1
jax: 0.10.2.dev20260603
libtpu: 0.0.44.dev20260713+nightly
codegen_flags: <defaults>
</compile_context>

<pallas_src>
import functools

import jax
import jax.numpy as jnp
from jax import lax
from jax.experimental import pallas as pl
from jax.experimental.pallas import tpu as pltpu
from jax.experimental.pallas import tpu_sc as plsc

NUM_EMB = 1000000
DIM = 32
BATCH = 16384
FIELDS = 26
B = BATCH * FIELDS
NW = 32
BPW = B // NW
NB = 4
CH = 832
NCH = BPW // CH

_mesh = plsc.VectorSubcoreMesh(core_axis_name="c", subcore_axis_name="s")


@functools.partial(
    pl.kernel,
    mesh=_mesh,
    out_type=jax.ShapeDtypeStruct((B, DIM), jnp.float32),
    scratch_types=[
        pltpu.VMEM((BPW,), jnp.int32),
        pltpu.VMEM((NB, CH, DIM), jnp.float32),
        pltpu.SemaphoreType.DMA((NB,)),
        pltpu.SemaphoreType.DMA((NB,)),
    ],
    compiler_params=pltpu.CompilerParams(use_tc_tiling_on_sc=False),
)
def _gather_kernel(idx_hbm, table_hbm, out_hbm, idx_v, bufs, gsem, ssem):
    wid = lax.axis_index("s") * 2 + lax.axis_index("c")
    base = wid * BPW
    pltpu.sync_copy(idx_hbm.at[pl.ds(base, BPW)], idx_v)

    gat = [None] * NCH
    scat = [None] * NCH

    def issue_gather(c):
        b = c % NB
        gat[c] = pltpu.async_copy(
            table_hbm.at[idx_v.at[pl.ds(c * CH, CH)]], bufs.at[b], gsem.at[b])

    issue_gather(0)
    for c in range(NCH):
        if c + 1 < NCH:
            if c + 1 >= NB:
                scat[c + 1 - NB].wait()
            issue_gather(c + 1)
        gat[c].wait()
        b = c % NB
        scat[c] = pltpu.async_copy(
            bufs.at[b], out_hbm.at[pl.ds(base + c * CH, CH)], ssem.at[b])
    for c in range(max(0, NCH - NB), NCH):
        scat[c].wait()


@functools.partial(
    pl.kernel,
    mesh=_mesh,
    out_type=jax.ShapeDtypeStruct((B,), jnp.int32),
    scratch_types=[pltpu.VMEM((BATCH,), jnp.int32)],
    compiler_params=pltpu.CompilerParams(use_tc_tiling_on_sc=True),
)
def _detile_idx(xt_hbm, flat_hbm, buf):
    wid = lax.axis_index("s") * 2 + lax.axis_index("c")

    @pl.when(wid < FIELDS)
    def _():
        pltpu.sync_copy(xt_hbm.at[wid], buf)
        pltpu.sync_copy(buf, flat_hbm.at[pl.ds(wid * BATCH, BATCH)])


def kernel(x, table):
    flat_idx = _detile_idx(x.T)
    table_wide = jax.lax.optimization_barrier(table.reshape(NUM_EMB // 4, 4 * DIM))
    out = _gather_kernel(flat_idx, table_wide.reshape(NUM_EMB, DIM))
    return out.reshape(FIELDS, BATCH, DIM).transpose(1, 0, 2)

# --- scband reference (transcript-rebuilt; emitter-appended) ---
"""Pipeline reference for scband-vnnembedding-90855738179664 (READ-ONLY COPY).

The authoritative reference and input builder live on the scoring server;
editing this copy changes nothing except your own understanding.
"""

import jax, jax.numpy as jnp
import numpy as np

NUM_EMBEDDINGS = 1000000
EMBED_DIM = 32
BATCH = 16384
FIELDS = 26


def setup_inputs(seed: int = 0) -> dict:
    key = jax.random.key(seed)
    k1, k2 = jax.random.split(key)
    x = jax.random.randint(k1, (BATCH, FIELDS), 0, NUM_EMBEDDINGS, dtype=jnp.int32)
    # Materialize the VNN-backed embedding table as a dense float32 array
    table = jax.random.normal(k2, (NUM_EMBEDDINGS, EMBED_DIM), dtype=jnp.float32) * 0.02
    return {"x": x, "table": table}


def reference(x, table):
    # data_np[indices] -> row gather from the embedding table, cast to float32
    out = jnp.take(table, x, axis=0)
    return out.astype(jnp.float32)

if __name__ == "__main__":
    import jax
    _d = setup_inputs()
    print(jax.jit(kernel)(*tuple(_d.values())))

</pallas_src>

<mosaic_0001>
#map = affine_map<(d0, d1) -> (0, 0)>
#map1 = affine_map<(d0, d1) -> (0)>
module attributes {stable_mosaic.version = 14 : i64} {
  func.func @_detile_idx(%arg0: i32, %arg1: i32, %arg2: memref<26x16384xi32, #tpu.memory_space<hbm>>, %arg3: memref<425984xi32, #tpu.memory_space<hbm>>, %arg4: memref<16384xi32, #tpu.memory_space<vmem>>) attributes {dimension_semantics = [#tpu.dimension_semantics<core_parallel>, #tpu.dimension_semantics<subcore_parallel>], iteration_bounds = array<i64: 2, 16>, scalar_prefetch = 0 : i64, scratch_operands = 1 : i64, tpu.core_type = #tpu.core_type<sc_vector_subcore>, window_params = [{transform_indices = #map}, {transform_indices = #map1}]} {
    %mul3A = arith.constant 2 : i32
    %mul3A_0 = arith.muli %arg1, %mul3A : i32
    %add3A = arith.addi %mul3A_0, %arg0 : i32
    %lt3A = arith.constant 26 : i32
    %lt3A_1 = arith.cmpi slt, %add3A, %lt3A : i32
    %convert_element_type3A = arith.extui %lt3A_1 : i1 to i32
    %cond3A = arith.constant 0 : i32
    %cond3A_2 = arith.cmpi ne, %convert_element_type3A, %cond3A : i32
    scf.if %cond3A_2 {
      "tpu.region"() ({
        %run_scoped3A = tpu.sem_alloc : memref<!tpu.dma_semaphore, #tpu.memory_space<semaphore_mem>>
        %dma_start3A = arith.constant 0 : i32
        %dma_start3A_5 = tpu.memref_slice %arg2[%add3A, %dma_start3A] : memref<26x16384xi32, #tpu.memory_space<hbm>> -> memref<1x16384xi32, #tpu.memory_space<hbm>>
        %dma_start3A_6 = tpu.memref_squeeze %dma_start3A_5 : memref<1x16384xi32, #tpu.memory_space<hbm>> -> memref<16384xi32, #tpu.memory_space<hbm>>
        %dma_start3A_7 = arith.constant 0 : i32
        %dma_start3A_8 = tpu.memref_slice %arg2[%add3A, %dma_start3A_7] : memref<26x16384xi32, #tpu.memory_space<hbm>> -> memref<1x16384xi32, #tpu.memory_space<hbm>>
        %dma_start3A_9 = tpu.memref_squeeze %dma_start3A_8 : memref<1x16384xi32, #tpu.memory_space<hbm>> -> memref<16384xi32, #tpu.memory_space<hbm>>
        tpu.enqueue_dma source(%dma_start3A_9 : memref<16384xi32, #tpu.memory_space<hbm>>) target(%arg4 : memref<16384xi32, #tpu.memory_space<vmem>>) target_semaphore(%run_scoped3A : memref<!tpu.dma_semaphore, #tpu.memory_space<semaphore_mem>>)
        %dma_wait3A = arith.constant 0 : i32
        %dma_wait3A_10 = tpu.memref_slice %arg2[%add3A, %dma_wait3A] : memref<26x16384xi32, #tpu.memory_space<hbm>> -> memref<1x16384xi32, #tpu.memory_space<hbm>>
        %dma_wait3A_11 = tpu.memref_squeeze %dma_wait3A_10 : memref<1x16384xi32, #tpu.memory_space<hbm>> -> memref<16384xi32, #tpu.memory_space<hbm>>
        %dma_wait3A_12 = arith.constant 0 : i32
        %dma_wait3A_13 = tpu.memref_slice %arg2[%add3A, %dma_wait3A_12] : memref<26x16384xi32, #tpu.memory_space<hbm>> -> memref<1x16384xi32, #tpu.memory_space<hbm>>
        %dma_wait3A_14 = tpu.memref_squeeze %dma_wait3A_13 : memref<1x16384xi32, #tpu.memory_space<hbm>> -> memref<16384xi32, #tpu.memory_space<hbm>>
        tpu.wait_dma2 semaphore(%run_scoped3A : memref<!tpu.dma_semaphore, #tpu.memory_space<semaphore_mem>>) src(%dma_wait3A_14 : memref<16384xi32, #tpu.memory_space<hbm>>) dst(%arg4 : memref<16384xi32, #tpu.memory_space<vmem>>)
        tpu.yield
      }) : () -> ()
      %mul3A_3 = arith.constant 16384 : i32
      %mul3A_4 = arith.muli %add3A, %mul3A_3 : i32
      "tpu.region"() ({
        %run_scoped3A = tpu.sem_alloc : memref<!tpu.dma_semaphore, #tpu.memory_space<semaphore_mem>>
        %dma_start3A = tpu.memref_slice %arg3[%mul3A_4] : memref<425984xi32, #tpu.memory_space<hbm>> -> memref<16384xi32, #tpu.memory_space<hbm>>
        %dma_start3A_5 = tpu.memref_slice %arg3[%mul3A_4] : memref<425984xi32, #tpu.memory_space<hbm>> -> memref<16384xi32, #tpu.memory_space<hbm>>
        tpu.enqueue_dma source(%arg4 : memref<16384xi32, #tpu.memory_space<vmem>>) target(%dma_start3A_5 : memref<16384xi32, #tpu.memory_space<hbm>>) target_semaphore(%run_scoped3A : memref<!tpu.dma_semaphore, #tpu.memory_space<semaphore_mem>>)
        %dma_wait3A = tpu.memref_slice %arg3[%mul3A_4] : memref<425984xi32, #tpu.memory_space<hbm>> -> memref<16384xi32, #tpu.memory_space<hbm>>
        %dma_wait3A_6 = tpu.memref_slice %arg3[%mul3A_4] : memref<425984xi32, #tpu.memory_space<hbm>> -> memref<16384xi32, #tpu.memory_space<hbm>>
        tpu.wait_dma2 semaphore(%run_scoped3A : memref<!tpu.dma_semaphore, #tpu.memory_space<semaphore_mem>>) src(%arg4 : memref<16384xi32, #tpu.memory_space<vmem>>) dst(%dma_wait3A_6 : memref<16384xi32, #tpu.memory_space<hbm>>)
        tpu.yield
      }) : () -> ()
    } else {
    }
    return
  }
}

#map = affine_map<(d0, d1) -> (0)>
#map1 = affine_map<(d0, d1) -> (0, 0)>
module attributes {stable_mosaic.version = 14 : i64} {
  func.func @_gather_kernel(%arg0: i32, %arg1: i32, %arg2: memref<425984xi32, #tpu.memory_space<hbm>>, %arg3: memref<1000000x32xf32, #tpu.memory_space<hbm>>, %arg4: memref<425984x32xf32, #tpu.memory_space<hbm>>, %arg5: memref<13312xi32, #tpu.memory_space<vmem>>, %arg6: memref<4x832x32xf32, #tpu.memory_space<vmem>>, %arg7: memref<4x!tpu.dma_semaphore, #tpu.memory_space<semaphore_mem>>, %arg8: memref<4x!tpu.dma_semaphore, #tpu.memory_space<semaphore_mem>>) attributes {dimension_semantics = [#tpu.dimension_semantics<core_parallel>, #tpu.dimension_semantics<subcore_parallel>], iteration_bounds = array<i64: 2, 16>, scalar_prefetch = 0 : i64, scratch_operands = 4 : i64, tpu.core_type = #tpu.core_type<sc_vector_subcore>, window_params = [{transform_indices = #map}, {transform_indices = #map1}, {transform_indices = #map1}]} {
    %mul3A = arith.constant 2 : i32
    %mul3A_0 = arith.muli %arg1, %mul3A : i32
    %add3A = arith.addi %mul3A_0, %arg0 : i32
    %mul3A_1 = arith.constant 13312 : i32
    %mul3A_2 = arith.muli %add3A, %mul3A_1 : i32
    "tpu.region"() ({
      %run_scoped3A = tpu.sem_alloc : memref<!tpu.dma_semaphore, #tpu.memory_space<semaphore_mem>>
      %dma_start3A_961 = tpu.memref_slice %arg2[%mul3A_2] : memref<425984xi32, #tpu.memory_space<hbm>> -> memref<13312xi32, #tpu.memory_space<hbm>>
      %dma_start3A_962 = tpu.memref_slice %arg2[%mul3A_2] : memref<425984xi32, #tpu.memory_space<hbm>> -> memref<13312xi32, #tpu.memory_space<hbm>>
      tpu.enqueue_dma source(%dma_start3A_962 : memref<13312xi32, #tpu.memory_space<hbm>>) target(%arg5 : memref<13312xi32, #tpu.memory_space<vmem>>) target_semaphore(%run_scoped3A : memref<!tpu.dma_semaphore, #tpu.memory_space<semaphore_mem>>)
      %dma_wait3A_963 = tpu.memref_slice %arg2[%mul3A_2] : memref<425984xi32, #tpu.memory_space<hbm>> -> memref<13312xi32, #tpu.memory_space<hbm>>
      %dma_wait3A_964 = tpu.memref_slice %arg2[%mul3A_2] : memref<425984xi32, #tpu.memory_space<hbm>> -> memref<13312xi32, #tpu.memory_space<hbm>>
      tpu.wait_dma2 semaphore(%run_scoped3A : memref<!tpu.dma_semaphore, #tpu.memory_space<semaphore_mem>>) src(%dma_wait3A_964 : memref<13312xi32, #tpu.memory_space<hbm>>) dst(%arg5 : memref<13312xi32, #tpu.memory_space<vmem>>)
      tpu.yield
    }) : () -> ()
    %dma_start3A = arith.constant 0 : i32
    %dma_start3A_3 = arith.constant 0 : i32
    %dma_start3A_4 = arith.constant 0 : i32
    %dma_start3A_5 = arith.constant 0 : i32
    %dma_start3A_6 = tpu.memref_slice %arg6[%dma_start3A, %dma_start3A_4, %dma_start3A_5] : memref<4x832x32xf32, #tpu.memory_space<vmem>> -> memref<1x832x32xf32, #tpu.memory_space<vmem>>
    %dma_start3A_7 = tpu.memref_squeeze %dma_start3A_6 : memref<1x832x32xf32, #tpu.memory_space<vmem>> -> memref<832x32xf32, #tpu.memory_space<vmem>>
    %dma_start3A_8 = arith.constant 0 : i32
    %dma_start3A_9 = tpu.memref_slice %arg5[%dma_start3A_8] : memref<13312xi32, #tpu.memory_space<vmem>> -> memref<832xi32, #tpu.memory_space<vmem>>
    %dma_start3A_10 = arith.constant 0 : i32
    %dma_start3A_11 = arith.constant 0 : i32
    %dma_start3A_12 = tpu.memref_slice %arg3[%dma_start3A_10, %dma_start3A_11] : memref<1000000x32xf32, #tpu.memory_space<hbm>> -> memref<1000000x32xf32, #tpu.memory_space<hbm>>
    %dma_start3A_13 = tpu.memref_slice %arg7[%dma_start3A_3] : memref<4x!tpu.dma_semaphore, #tpu.memory_space<semaphore_mem>> -> memref<1x!tpu.dma_semaphore, #tpu.memory_space<semaphore_mem>>
    %dma_start3A_14 = tpu.memref_squeeze %dma_start3A_13 : memref<1x!tpu.dma_semaphore, #tpu.memory_space<semaphore_mem>> -> memref<!tpu.dma_semaphore, #tpu.memory_space<semaphore_mem>>
    tpu.enqueue_indirect_dma source(%dma_start3A_12 : memref<1000000x32xf32, #tpu.memory_space<hbm>>) target(%dma_start3A_7 : memref<832x32xf32, #tpu.memory_space<vmem>>) offsets(%dma_start3A_9 : memref<832xi32, #tpu.memory_space<vmem>>) semaphore(%dma_start3A_14 : memref<!tpu.dma_semaphore, #tpu.memory_space<semaphore_mem>>)
    %dma_start3A_15 = arith.constant 1 : i32
    %dma_start3A_16 = arith.constant 1 : i32
    %dma_start3A_17 = arith.constant 0 : i32
    %dma_start3A_18 = arith.constant 0 : i32
    %dma_start3A_19 = tpu.memref_slice %arg6[%dma_start3A_15, %dma_start3A_17, %dma_start3A_18] : memref<4x832x32xf32, #tpu.memory_space<vmem>> -> memref<1x832x32xf32, #tpu.memory_space<vmem>>
    %dma_start3A_20 = tpu.memref_squeeze %dma_start3A_19 : memref<1x832x32xf32, #tpu.memory_space<vmem>> -> memref<832x32xf32, #tpu.memory_space<vmem>>
    %dma_start3A_21 = arith.constant 832 : i32
    %dma_start3A_22 = tpu.memref_slice %arg5[%dma_start3A_21] : memref<13312xi32, #tpu.memory_space<vmem>> -> memref<832xi32, #tpu.memory_space<vmem>>
    %dma_start3A_23 = arith.constant 0 : i32
    %dma_start3A_24 = arith.constant 0 : i32
    %dma_start3A_25 = tpu.memref_slice %arg3[%dma_start3A_23, %dma_start3A_24] : memref<1000000x32xf32, #tpu.memory_space<hbm>> -> memref<1000000x32xf32, #tpu.memory_space<hbm>>
    %dma_start3A_26 = tpu.memref_slice %arg7[%dma_start3A_16] : memref<4x!tpu.dma_semaphore, #tpu.memory_space<semaphore_mem>> -> memref<1x!tpu.dma_semaphore, #tpu.memory_space<semaphore_mem>>
    %dma_start3A_27 = tpu.memref_squeeze %dma_start3A_26 : memref<1x!tpu.dma_semaphore, #tpu.memory_space<semaphore_mem>> -> memref<!tpu.dma_semaphore, #tpu.memory_space<semaphore_mem>>
    tpu.enqueue_indirect_dma source(%dma_start3A_25 : memref<1000000x32xf32, #tpu.memory_space<hbm>>) target(%dma_start3A_20 : memref<832x32xf32, #tpu.memory_space<vmem>>) offsets(%dma_start3A_22 : memref<832xi32, #tpu.memory_space<vmem>>) semaphore(%dma_start3A_27 : memref<!tpu.dma_semaphore, #tpu.memory_space<semaphore_mem>>)
    %dma_wait3A = arith.constant 0 : i32
    %dma_wait3A_28 = arith.constant 0 : i32
    %dma_wait3A_29 = arith.constant 0 : i32
    %dma_wait3A_30 = arith.constant 0 : i32
    %dma_wait3A_31 = tpu.memref_slice %arg6[%dma_wait3A, %dma_wait3A_29, %dma_wait3A_30] : memref<4x832x32xf32, #tpu.memory_space<vmem>> -> memref<1x832x32xf32, #tpu.memory_space<vmem>>
    %dma_wait3A_32 = tpu.memref_squeeze %dma_wait3A_31 : memref<1x832x32xf32, #tpu.memory_space<vmem>> -> memref<832x32xf32, #tpu.memory_space<vmem>>
    %dma_wait3A_33 = arith.constant 0 : i32
    %dma_wait3A_34 = tpu.memref_slice %arg5[%dma_wait3A_33] : memref<13312xi32, #tpu.memory_space<vmem>> -> memref<832xi32, #tpu.memory_space<vmem>>
    %dma_wait3A_35 = arith.constant 0 : i32
    %dma_wait3A_36 = arith.constant 0 : i32
    %dma_wait3A_37 = tpu.memref_slice %arg3[%dma_wait3A_35, %dma_wait3A_36] : memref<1000000x32xf32, #tpu.memory_space<hbm>> -> memref<1000000x32xf32, #tpu.memory_space<hbm>>
    %dma_wait3A_38 = tpu.memref_slice %arg7[%dma_wait3A_28] : memref<4x!tpu.dma_semaphore, #tpu.memory_space<semaphore_mem>> -> memref<1x!tpu.dma_semaphore, #tpu.memory_space<semaphore_mem>>
    %dma_wait3A_39 = tpu.memref_squeeze %dma_wait3A_38 : memref<1x!tpu.dma_semaphore, #tpu.memory_space<semaphore_mem>> -> memref<!tpu.dma_semaphore, #tpu.memory_space<semaphore_mem>>
    tpu.wait_indirect_dma semaphore(%dma_wait3A_39 : memref<!tpu.dma_semaphore, #tpu.memory_space<semaphore_mem>>) src(%dma_wait3A_37 : memref<1000000x32xf32, #tpu.memory_space<hbm>>) dst(%dma_wait3A_32 : memref<832x32xf32, #tpu.memory_space<vmem>>)
    %add3A_40 = arith.constant 0 : i32
    %add3A_41 = arith.addi %mul3A_2, %add3A_40 : i32
    %dma_start3A_42 = arith.constant 0 : i32
    %dma_start3A_43 = arith.constant 0 : i32
    %dma_start3A_44 = arith.constant 0 : i32
    %dma_start3A_45 = arith.constant 0 : i32
    %dma_start3A_46 = tpu.memref_slice %arg6[%dma_start3A_42, %dma_start3A_44, %dma_start3A_45] : memref<4x832x32xf32, #tpu.memory_space<vmem>> -> memref<1x832x32xf32, #tpu.memory_space<vmem>>
    %dma_start3A_47 = tpu.memref_squeeze %dma_start3A_46 : memref<1x832x32xf32, #tpu.memory_space<vmem>> -> memref<832x32xf32, #tpu.memory_space<vmem>>
    %dma_start3A_48 = arith.constant 0 : i32
    %dma_start3A_49 = tpu.memref_slice %arg4[%add3A_41, %dma_start3A_48] : memref<425984x32xf32, #tpu.memory_space<hbm>> -> memref<832x32xf32, #tpu.memory_space<hbm>>
    %dma_start3A_50 = tpu.memref_slice %arg8[%dma_start3A_43] : memref<4x!tpu.dma_semaphore, #tpu.memory_space<semaphore_mem>> -> memref<1x!tpu.dma_semaphore, #tpu.memory_space<semaphore_mem>>
    %dma_start3A_51 = tpu.memref_squeeze %dma_start3A_50 : memref<1x!tpu.dma_semaphore, #tpu.memory_space<semaphore_mem>> -> memref<!tpu.dma_semaphore, #tpu.memory_space<semaphore_mem>>
    %dma_start3A_52 = arith.constant 0 : i32
    %dma_start3A_53 = tpu.memref_slice %arg4[%add3A_41, %dma_start3A_52] : memref<425984x32xf32, #tpu.memory_space<hbm>> -> memref<832x32xf32, #tpu.memory_space<hbm>>
    %dma_start3A_54 = arith.constant 0 : i32
    %dma_start3A_55 = arith.constant 0 : i32
    %dma_start3A_56 = tpu.memref_slice %arg6[%dma_start3A_42, %dma_start3A_54, %dma_start3A_55] : memref<4x832x32xf32, #tpu.memory_space<vmem>> -> memref<1x832x32xf32, #tpu.memory_space<vmem>>
    %dma_start3A_57 = tpu.memref_squeeze %dma_start3A_56 : memref<1x832x32xf32, #tpu.memory_space<vmem>> -> memref<832x32xf32, #tpu.memory_space<vmem>>
    tpu.enqueue_dma source(%dma_start3A_57 : memref<832x32xf32, #tpu.memory_space<vmem>>) target(%dma_start3A_53 : memref<832x32xf32, #tpu.memory_space<hbm>>) target_semaphore(%dma_start3A_51 : memref<!tpu.dma_semaphore, #tpu.memory_space<semaphore_mem>>)
    %dma_start3A_58 = arith.constant 2 : i32
    %dma_start3A_59 = arith.constant 2 : i32
    %dma_start3A_60 = arith.constant 0 : i32
    %dma_start3A_61 = arith.constant 0 : i32
    %dma_start3A_62 = tpu.memref_slice %arg6[%dma_start3A_58, %dma_start3A_60, %dma_start3A_61] : memref<4x832x32xf32, #tpu.memory_space<vmem>> -> memref<1x832x32xf32, #tpu.memory_space<vmem>>
    %dma_start3A_63 = tpu.memref_squeeze %dma_start3A_62 : memref<1x832x32xf32, #tpu.memory_space<vmem>> -> memref<832x32xf32, #tpu.memory_space<vmem>>
    %dma_start3A_64 = arith.constant 1664 : i32
    %dma_start3A_65 = tpu.memref_slice %arg5[%dma_start3A_64] : memref<13312xi32, #tpu.memory_space<vmem>> -> memref<832xi32, #tpu.memory_space<vmem>>
    %dma_start3A_66 = arith.constant 0 : i32
    %dma_start3A_67 = arith.constant 0 : i32
    %dma_start3A_68 = tpu.memref_slice %arg3[%dma_start3A_66, %dma_start3A_67] : memref<1000000x32xf32, #tpu.memory_space<hbm>> -> memref<1000000x32xf32, #tpu.memory_space<hbm>>
    %dma_start3A_69 = tpu.memref_slice %arg7[%dma_start3A_59] : memref<4x!tpu.dma_semaphore, #tpu.memory_space<semaphore_mem>> -> memref<1x!tpu.dma_semaphore, #tpu.memory_space<semaphore_mem>>
    %dma_start3A_70 = tpu.memref_squeeze %dma_start3A_69 : memref<1x!tpu.dma_semaphore, #tpu.memory_space<semaphore_mem>> -> memref<!tpu.dma_semaphore, #tpu.memory_space<semaphore_mem>>
    tpu.enqueue_indirect_dma source(%dma_start3A_68 : memref<1000000x32xf32, #tpu.memory_space<hbm>>) target(%dma_start3A_63 : memref<832x32xf32, #tpu.memory_space<vmem>>) offsets(%dma_start3A_65 : memref<832xi32, #tpu.memory_space<vmem>>) semaphore(%dma_start3A_70 : memref<!tpu.dma_semaphore, #tpu.memory_space<semaphore_mem>>)
    %dma_wait3A_71 = arith.constant 1 : i32
    %dma_wait3A_72 = arith.constant 1 : i32
    %dma_wait3A_73 = arith.constant 0 : i32
    %dma_wait3A_74 = arith.constant 0 : i32
    %dma_wait3A_75 = tpu.memref_slice %arg6[%dma_wait3A_71, %dma_wait3A_73, %dma_wait3A_74] : memref<4x832x32xf32, #tpu.memory_space<vmem>> -> memref<1x832x32xf32, #tpu.memory_space<vmem>>
    %dma_wait3A_76 = tpu.memref_squeeze %dma_wait3A_75 : memref<1x832x32xf32, #tpu.memory_space<vmem>> -> memref<832x32xf32, #tpu.memory_space<vmem>>
    %dma_wait3A_77 = arith.constant 832 : i32
    %dma_wait3A_78 = tpu.memref_slice %arg5[%dma_wait3A_77] : memref<13312xi32, #tpu.memory_space<vmem>> -> memref<832xi32, #tpu.memory_space<vmem>>
    %dma_wait3A_79 = arith.constant 0 : i32
    %dma_wait3A_80 = arith.constant 0 : i32
    %dma_wait3A_81 = tpu.memref_slice %arg3[%dma_wait3A_79, %dma_wait3A_80] : memref<1000000x32xf32, #tpu.memory_space<hbm>> -> memref<1000000x32xf32, #tpu.memory_space<hbm>>
    %dma_wait3A_82 = tpu.memref_slice %arg7[%dma_wait3A_72] : memref<4x!tpu.dma_semaphore, #tpu.memory_space<semaphore_mem>> -> memref<1x!tpu.dma_semaphore, #tpu.memory_space<semaphore_mem>>
    %dma_wait3A_83 = tpu.memref_squeeze %dma_wait3A_82 : memref<1x!tpu.dma_semaphore, #tpu.memory_space<semaphore_mem>> -> memref<!tpu.dma_semaphore, #tpu.memory_space<semaphore_mem>>
    tpu.wait_indirect_dma semaphore(%dma_wait3A_83 : memref<!tpu.dma_semaphore, #tpu.memory_space<semaphore_mem>>) src(%dma_wait3A_81 : memref<1000000x32xf32, #tpu.memory_space<hbm>>) dst(%dma_wait3A_76 : memref<832x32xf32, #tpu.memory_space<vmem>>)
    %add3A_84 = arith.constant 832 : i32
    %add3A_85 = arith.addi %mul3A_2, %add3A_84 : i32
    %dma_start3A_86 = arith.constant 1 : i32
    %dma_start3A_87 = arith.constant 1 : i32
    %dma_start3A_88 = arith.constant 0 : i32
    %dma_start3A_89 = arith.constant 0 : i32
    %dma_start3A_90 = tpu.memref_slice %arg6[%dma_start3A_86, %dma_start3A_88, %dma_start3A_89] : memref<4x832x32xf32, #tpu.memory_space<vmem>> -> memref<1x832x32xf32, #tpu.memory_space<vmem>>
    %dma_start3A_91 = tpu.memref_squeeze %dma_start3A_90 : memref<1x832x32xf32, #tpu.memory_space<vmem>> -> memref<832x32xf32, #tpu.memory_space<vmem>>
    %dma_start3A_92 = arith.constant 0 : i32
    %dma_start3A_93 = tpu.memref_slice %arg4[%add3A_85, %dma_start3A_92] : memref<425984x32xf32, #tpu.memory_space<hbm>> -> memref<832x32xf32, #tpu.memory_space<hbm>>
    %dma_start3A_94 = tpu.memref_slice %arg8[%dma_start3A_87] : memref<4x!tpu.dma_semaphore, #tpu.memory_space<semaphore_mem>> -> memref<1x!tpu.dma_semaphore, #tpu.memory_space<semaphore_mem>>
    %dma_start3A_95 = tpu.memref_squeeze %dma_start3A_94 : memref<1x!tpu.dma_semaphore, #tpu.memory_space<semaphore_mem>> -> memref<!tpu.dma_semaphore, #tpu.memory_space<semaphore_mem>>
    %dma_start3A_96 = arith.constant 0 : i32
    %dma_start3A_97 = tpu.memref_slice %arg4[%add3A_85, %dma_start3A_96] : memref<425984x32xf32, #tpu.memory_space<hbm>> -> memref<832x32xf32, #tpu.memory_space<hbm>>
    %dma_start3A_98 = arith.constant 0 : i32
    %dma_start3A_99 = arith.constant 0 : i32
    %dma_start3A_100 = tpu.memref_slice %arg6[%dma_start3A_86, %dma_start3A_98, %dma_start3A_99] : memref<4x832x32xf32, #tpu.memory_space<vmem>> -> memref<1x832x32xf32, #tpu.memory_space<vmem>>
    %dma_start3A_101 = tpu.memref_squeeze %dma_start3A_100 : memref<1x832x32xf32, #tpu.memory_space<vmem>> -> memref<832x32xf32, #tpu.memory_space<vmem>>
    tpu.enqueue_dma source(%dma_start3A_101 : memref<832x32xf32, #tpu.memory_space<vmem>>) target(%dma_start3A_97 : memref<832x32xf32, #tpu.memory_space<hbm>>) target_semaphore(%dma_start3A_95 : memref<!tpu.dma_semaphore, #tpu.memory_space<semaphore_mem>>)
    %dma_start3A_102 = arith.constant 3 : i32
    %dma_start3A_103 = arith.constant 3 : i32
    %dma_start3A_104 = arith.constant 0 : i32
    %dma_start3A_105 = arith.constant 0 : i32
    %dma_start3A_106 = tpu.memref_slice %arg6[%dma_start3A_102, %dma_start3A_104, %dma_start3A_105] : memref<4x832x32xf32, #tpu.memory_space<vmem>> -> memref<1x832x32xf32, #tpu.memory_space<vmem>>
    %dma_start3A_107 = tpu.memref_squeeze %dma_start3A_106 : memref<1x832x32xf32, #tpu.memory_space<vmem>> -> memref<832x32xf32, #tpu.memory_space<vmem>>
    %dma_start3A_108 = arith.constant 2496 : i32
    %dma_start3A_109 = tpu.memref_slice %arg5[%dma_start3A_108] : memref<13312xi32, #tpu.memory_space<vmem>> -> memref<832xi32, #tpu.memory_space<vmem>>
    %dma_start3A_110 = arith.constant 0 : i32
    %dma_start3A_111 = arith.constant 0 : i32
    %dma_start3A_112 = tpu.memref_slice %arg3[%dma_start3A_110, %dma_start3A_111] : memref<1000000x32xf32, #tpu.memory_space<hbm>> -> memref<1000000x32xf32, #tpu.memory_space<hbm>>
    %dma_start3A_113 = tpu.memref_slice %arg7[%dma_start3A_103] : memref<4x!tpu.dma_semaphore, #tpu.memory_space<semaphore_mem>> -> memref<1x!tpu.dma_semaphore, #tpu.memory_space<semaphore_mem>>
    %dma_start3A_114 = tpu.memref_squeeze %dma_start3A_113 : memref<1x!tpu.dma_semaphore, #tpu.memory_space<semaphore_mem>> -> memref<!tpu.dma_semaphore, #tpu.memory_space<semaphore_mem>>
    tpu.enqueue_indirect_dma source(%dma_start3A_112 : memref<1000000x32xf32, #tpu.memory_space<hbm>>) target(%dma_start3A_107 : memref<832x32xf32, #tpu.memory_space<vmem>>) offsets(%dma_start3A_109 : memref<832xi32, #tpu.memory_space<vmem>>) semaphore(%dma_start3A_114 : memref<!tpu.dma_semaphore, #tpu.memory_space<semaphore_mem>>)
    %dma_wait3A_115 = arith.constant 2 : i32
    %dma_wait3A_116 = arith.constant 2 : i32
    %dma_wait3A_117 = arith.constant 0 : i32
    %dma_wait3A_118 = arith.constant 0 : i32
    %dma_wait3A_119 = tpu.memref_slice %arg6[%dma_wait3A_115, %dma_wait3A_117, %dma_wait3A_118] : memref<4x832x32xf32, #tpu.memory_space<vmem>> -> memref<1x832x32xf32, #tpu.memory_space<vmem>>
    %dma_wait3A_120 = tpu.memref_squeeze %dma_wait3A_119 : memref<1x832x32xf32, #tpu.memory_space<vmem>> -> memref<832x32xf32, #tpu.memory_space<vmem>>
    %dma_wait3A_121 = arith.constant 1664 : i32
    %dma_wait3A_122 = tpu.memref_slice %arg5[%dma_wait3A_121] : memref<13312xi32, #tpu.memory_space<vmem>> -> memref<832xi32, #tpu.memory_space<vmem>>
    %dma_wait3A_123 = arith.constant 0 : i32
    %dma_wait3A_124 = arith.constant 0 : i32
    %dma_wait3A_125 = tpu.memref_slice %arg3[%dma_wait3A_123, %dma_wait3A_124] : memref<1000000x32xf32, #tpu.memory_space<hbm>> -> memref<1000000x32xf32, #tpu.memory_space<hbm>>
    %dma_wait3A_126 = tpu.memref_slice %arg7[%dma_wait3A_116] : memref<4x!tpu.dma_semaphore, #tpu.memory_space<semaphore_mem>> -> memref<1x!tpu.dma_semaphore, #tpu.memory_space<semaphore_mem>>
    %dma_wait3A_127 = tpu.memref_squeeze %dma_wait3A_126 : memref<1x!tpu.dma_semaphore, #tpu.memory_space<semaphore_mem>> -> memref<!tpu.dma_semaphore, #tpu.memory_space<semaphore_mem>>
    tpu.wait_indirect_dma semaphore(%dma_wait3A_127 : memref<!tpu.dma_semaphore, #tpu.memory_space<semaphore_mem>>) src(%dma_wait3A_125 : memref<1000000x32xf32, #tpu.memory_space<hbm>>) dst(%dma_wait3A_120 : memref<832x32xf32, #tpu.memory_space<vmem>>)
    %add3A_128 = arith.constant 1664 : i32
    %add3A_129 = arith.addi %mul3A_2, %add3A_128 : i32
    %dma_start3A_130 = arith.constant 2 : i32
    %dma_start3A_131 = arith.constant 2 : i32
    %dma_start3A_132 = arith.constant 0 : i32
    %dma_start3A_133 = arith.constant 0 : i32
    %dma_start3A_134 = tpu.memref_slice %arg6[%dma_start3A_130, %dma_start3A_132, %dma_start3A_133] : memref<4x832x32xf32, #tpu.memory_space<vmem>> -> memref<1x832x32xf32, #tpu.memory_space<vmem>>
    %dma_start3A_135 = tpu.memref_squeeze %dma_start3A_134 : memref<1x832x32xf32, #tpu.memory_space<vmem>> -> memref<832x32xf32, #tpu.memory_space<vmem>>
    %dma_start3A_136 = arith.constant 0 : i32
    %dma_start3A_137 = tpu.memref_slice %arg4[%add3A_129, %dma_start3A_136] : memref<425984x32xf32, #tpu.memory_space<hbm>> -> memref<832x32xf32, #tpu.memory_space<hbm>>
    %dma_start3A_138 = tpu.memref_slice %arg8[%dma_start3A_131] : memref<4x!tpu.dma_semaphore, #tpu.memory_space<semaphore_mem>> -> memref<1x!tpu.dma_semaphore, #tpu.memory_space<semaphore_mem>>
    %dma_start3A_139 = tpu.memref_squeeze %dma_start3A_138 : memref<1x!tpu.dma_semaphore, #tpu.memory_space<semaphore_mem>> -> memref<!tpu.dma_semaphore, #tpu.memory_space<semaphore_mem>>
    %dma_start3A_140 = arith.constant 0 : i32
    %dma_start3A_141 = tpu.memref_slice %arg4[%add3A_129, %dma_start3A_140] : memref<425984x32xf32, #tpu.memory_space<hbm>> -> memref<832x32xf32, #tpu.memory_space<hbm>>
    %dma_start3A_142 = arith.constant 0 : i32
    %dma_start3A_143 = arith.constant 0 : i32
    %dma_start3A_144 = tpu.memref_slice %arg6[%dma_start3A_130, %dma_start3A_142, %dma_start3A_143] : memref<4x832x32xf32, #tpu.memory_space<vmem>> -> memref<1x832x32xf32, #tpu.memory_space<vmem>>
    %dma_start3A_145 = tpu.memref_squeeze %dma_start3A_144 : memref<1x832x32xf32, #tpu.memory_space<vmem>> -> memref<832x32xf32, #tpu.memory_space<vmem>>
    tpu.enqueue_dma source(%dma_start3A_145 : memref<832x32xf32, #tpu.memory_space<vmem>>) target(%dma_start3A_141 : memref<832x32xf32, #tpu.memory_space<hbm>>) target_semaphore(%dma_start3A_139 : memref<!tpu.dma_semaphore, #tpu.memory_space<semaphore_mem>>)
    %dma_wait3A_146 = arith.constant 0 : i32
    %dma_wait3A_147 = arith.constant 0 : i32
    %dma_wait3A_148 = arith.constant 0 : i32
    %dma_wait3A_149 = arith.constant 0 : i32
    %dma_wait3A_150 = tpu.memref_slice %arg6[%dma_wait3A_146, %dma_wait3A_148, %dma_wait3A_149] : memref<4x832x32xf32, #tpu.memory_space<vmem>> -> memref<1x832x32xf32, #tpu.memory_space<vmem>>
    %dma_wait3A_151 = tpu.memref_squeeze %dma_wait3A_150 : memref<1x832x32xf32, #tpu.memory_space<vmem>> -> memref<832x32xf32, #tpu.memory_space<vmem>>
    %dma_wait3A_152 = arith.constant 0 : i32
    %dma_wait3A_153 = tpu.memref_slice %arg4[%add3A_41, %dma_wait3A_152] : memref<425984x32xf32, #tpu.memory_space<hbm>> -> memref<832x32xf32, #tpu.memory_space<hbm>>
    %dma_wait3A_154 = tpu.memref_slice %arg8[%dma_wait3A_147] : memref<4x!tpu.dma_semaphore, #tpu.memory_space<semaphore_mem>> -> memref<1x!tpu.dma_semaphore, #tpu.memory_space<semaphore_mem>>
    %dma_wait3A_155 = tpu.memref_squeeze %dma_wait3A_154 : memref<1x!tpu.dma_semaphore, #tpu.memory_space<semaphore_mem>> -> memref<!tpu.dma_semaphore, #tpu.memory_space<semaphore_mem>>
    %dma_wait3A_156 = arith.constant 0 : i32
    %dma_wait3A_157 = tpu.memref_slice %arg4[%add3A_41, %dma_wait3A_156] : memref<425984x32xf32, #tpu.memory_space<hbm>> -> memref<832x32xf32, #tpu.memory_space<hbm>>
    %dma_wait3A_158 = arith.constant 0 : i32
    %dma_wait3A_159 = arith.constant 0 : i32
    %dma_wait3A_160 = tpu.memref_slice %arg6[%dma_wait3A_146, %dma_wait3A_158, %dma_wait3A_159] : memref<4x832x32xf32, #tpu.memory_space<vmem>> -> memref<1x832x32xf32, #tpu.memory_space<vmem>>
    %dma_wait3A_161 = tpu.memref_squeeze %dma_wait3A_160 : memref<1x832x32xf32, #tpu.memory_space<vmem>> -> memref<832x32xf32, #tpu.memory_space<vmem>>
    tpu.wait_dma2 semaphore(%dma_wait3A_155 : memref<!tpu.dma_semaphore, #tpu.memory_space<semaphore_mem>>) src(%dma_wait3A_161 : memref<832x32xf32, #tpu.memory_space<vmem>>) dst(%dma_wait3A_157 : memref<832x32xf32, #tpu.memory_space<hbm>>)
    %dma_start3A_162 = arith.constant 0 : i32
    %dma_start3A_163 = arith.constant 0 : i32
    %dma_start3A_164 = arith.constant 0 : i32
    %dma_start3A_165 = arith.constant 0 : i32
    %dma_start3A_166 = tpu.memref_slice %arg6[%dma_start3A_162, %dma_start3A_164, %dma_start3A_165] : memref<4x832x32xf32, #tpu.memory_space<vmem>> -> memref<1x832x32xf32, #tpu.memory_space<vmem>>
    %dma_start3A_167 = tpu.memref_squeeze %dma_start3A_166 : memref<1x832x32xf32, #tpu.memory_space<vmem>> -> memref<832x32xf32, #tpu.memory_space<vmem>>
    %dma_start3A_168 = arith.constant 3328 : i32
    %dma_start3A_169 = tpu.memref_slice %arg5[%dma_start3A_168] : memref<13312xi32, #tpu.memory_space<vmem>> -> memref<832xi32, #tpu.memory_space<vmem>>
    %dma_start3A_170 = arith.constant 0 : i32
    %dma_start3A_171 = arith.constant 0 : i32
    %dma_start3A_172 = tpu.memref_slice %arg3[%dma_start3A_170, %dma_start3A_171] : memref<1000000x32xf32, #tpu.memory_space<hbm>> -> memref<1000000x32xf32, #tpu.memory_space<hbm>>
    %dma_start3A_173 = tpu.memref_slice %arg7[%dma_start3A_163] : memref<4x!tpu.dma_semaphore, #tpu.memory_space<semaphore_mem>> -> memref<1x!tpu.dma_semaphore, #tpu.memory_space<semaphore_mem>>
    %dma_start3A_174 = tpu.memref_squeeze %dma_start3A_173 : memref<1x!tpu.dma_semaphore, #tpu.memory_space<semaphore_mem>> -> memref<!tpu.dma_semaphore, #tpu.memory_space<semaphore_mem>>
    tpu.enqueue_indirect_dma source(%dma_start3A_172 : memref<1000000x32xf32, #tpu.memory_space<hbm>>) target(%dma_start3A_167 : memref<832x32xf32, #tpu.memory_space<vmem>>) offsets(%dma_start3A_169 : memref<832xi32, #tpu.memory_space<vmem>>) semaphore(%dma_start3A_174 : memref<!tpu.dma_semaphore, #tpu.memory_space<semaphore_mem>>)
    %dma_wait3A_175 = arith.constant 3 : i32
    %dma_wait3A_176 = arith.constant 3 : i32
    %dma_wait3A_177 = arith.constant 0 : i32
    %dma_wait3A_178 = arith.constant 0 : i32
    %dma_wait3A_179 = tpu.memref_slice %arg6[%dma_wait3A_175, %dma_wait3A_177, %dma_wait3A_178] : memref<4x832x32xf32, #tpu.memory_space<vmem>> -> memref<1x832x32xf32, #tpu.memory_space<vmem>>
    %dma_wait3A_180 = tpu.memref_squeeze %dma_wait3A_179 : memref<1x832x32xf32, #tpu.memory_space<vmem>> -> memref<832x32xf32, #tpu.memory_space<vmem>>
    %dma_wait3A_181 = arith.constant 2496 : i32
    %dma_wait3A_182 = tpu.memref_slice %arg5[%dma_wait3A_181] : memref<13312xi32, #tpu.memory_space<vmem>> -> memref<832xi32, #tpu.memory_space<vmem>>
    %dma_wait3A_183 = arith.constant 0 : i32
    %dma_wait3A_184 = arith.constant 0 : i32
    %dma_wait3A_185 = tpu.memref_slice %arg3[%dma_wait3A_183, %dma_wait3A_184] : memref<1000000x32xf32, #tpu.memory_space<hbm>> -> memref<1000000x32xf32, #tpu.memory_space<hbm>>
    %dma_wait3A_186 = tpu.memref_slice %arg7[%dma_wait3A_176] : memref<4x!tpu.dma_semaphore, #tpu.memory_space<semaphore_mem>> -> memref<1x!tpu.dma_semaphore, #tpu.memory_space<semaphore_mem>>
    %dma_wait3A_187 = tpu.memref_squeeze %dma_wait3A_186 : memref<1x!tpu.dma_semaphore, #tpu.memory_space<semaphore_mem>> -> memref<!tpu.dma_semaphore, #tpu.memory_space<semaphore_mem>>
    tpu.wait_indirect_dma semaphore(%dma_wait3A_187 : memref<!tpu.dma_semaphore, #tpu.memory_space<semaphore_mem>>) src(%dma_wait3A_185 : memref<1000000x32xf32, #tpu.memory_space<hbm>>) dst(%dma_wait3A_180 : memref<832x32xf32, #tpu.memory_space<vmem>>)
    %add3A_188 = arith.constant 2496 : i32
    %add3A_189 = arith.addi %mul3A_2, %add3A_188 : i32
    %dma_start3A_190 = arith.constant 3 : i32
    %dma_start3A_191 = arith.constant 3 : i32
    %dma_start3A_192 = arith.constant 0 : i32
    %dma_start3A_193 = arith.constant 0 : i32
    %dma_start3A_194 = tpu.memref_slice %arg6[%dma_start3A_190, %dma_start3A_192, %dma_start3A_193] : memref<4x832x32xf32, #tpu.memory_space<vmem>> -> memref<1x832x32xf32, #tpu.memory_space<vmem>>
    %dma_start3A_195 = tpu.memref_squeeze %dma_start3A_194 : memref<1x832x32xf32, #tpu.memory_space<vmem>> -> memref<832x32xf32, #tpu.memory_space<vmem>>
    %dma_start3A_196 = arith.constant 0 : i32
    %dma_start3A_197 = tpu.memref_slice %arg4[%add3A_189, %dma_start3A_196] : memref<425984x32xf32, #tpu.memory_space<hbm>> -> memref<832x32xf32, #tpu.memory_space<hbm>>
    %dma_start3A_198 = tpu.memref_slice %arg8[%dma_start3A_191] : memref<4x!tpu.dma_semaphore, #tpu.memory_space<semaphore_mem>> -> memref<1x!tpu.dma_semaphore, #tpu.memory_space<semaphore_mem>>
    %dma_start3A_199 = tpu.memref_squeeze %dma_start3A_198 : memref<1x!tpu.dma_semaphore, #tpu.memory_space<semaphore_mem>> -> memref<!tpu.dma_semaphore, #tpu.memory_space<semaphore_mem>>
    %dma_start3A_200 = arith.constant 0 : i32
    %dma_start3A_201 = tpu.memref_slice %arg4[%add3A_189, %dma_start3A_200] : memref<425984x32xf32, #tpu.memory_space<hbm>> -> memref<832x32xf32, #tpu.memory_space<hbm>>
    %dma_start3A_202 = arith.constant 0 : i32
    %dma_start3A_203 = arith.constant 0 : i32
    %dma_start3A_204 = tpu.memref_slice %arg6[%dma_start3A_190, %dma_start3A_202, %dma_start3A_203] : memref<4x832x32xf32, #tpu.memory_space<vmem>> -> memref<1x832x32xf32, #tpu.memory_space<vmem>>
    %dma_start3A_205 = tpu.memref_squeeze %dma_start3A_204 : memref<1x832x32xf32, #tpu.memory_space<vmem>> -> memref<832x32xf32, #tpu.memory_space<vmem>>
    tpu.enqueue_dma source(%dma_start3A_205 : memref<832x32xf32, #tpu.memory_space<vmem>>) target(%dma_start3A_201 : memref<832x32xf32, #tpu.memory_space<hbm>>) target_semaphore(%dma_start3A_199 : memref<!tpu.dma_semaphore, #tpu.memory_space<semaphore_mem>>)
    %dma_wait3A_206 = arith.constant 1 : i32
    %dma_wait3A_207 = arith.constant 1 : i32
    %dma_wait3A_208 = arith.constant 0 : i32
    %dma_wait3A_209 = arith.constant 0 : i32
    %dma_wait3A_210 = tpu.memref_slice %arg6[%dma_wait3A_206, %dma_wait3A_208, %dma_wait3A_209] : memref<4x832x32xf32, #tpu.memory_space<vmem>> -> memref<1x832x32xf32, #tpu.memory_space<vmem>>
    %dma_wait3A_211 = tpu.memref_squeeze %dma_wait3A_210 : memref<1x832x32xf32, #tpu.memory_space<vmem>> -> memref<832x32xf32, #tpu.memory_space<vmem>>
    %dma_wait3A_212 = arith.constant 0 : i32
    %dma_wait3A_213 = tpu.memref_slice %arg4[%add3A_85, %dma_wait3A_212] : memref<425984x32xf32, #tpu.memory_space<hbm>> -> memref<832x32xf32, #tpu.memory_space<hbm>>
    %dma_wait3A_214 = tpu.memref_slice %arg8[%dma_wait3A_207] : memref<4x!tpu.dma_semaphore, #tpu.memory_space<semaphore_mem>> -> memref<1x!tpu.dma_semaphore, #tpu.memory_space<semaphore_mem>>
    %dma_wait3A_215 = tpu.memref_squeeze %dma_wait3A_214 : memref<1x!tpu.dma_semaphore, #tpu.memory_space<semaphore_mem>> -> memref<!tpu.dma_semaphore, #tpu.memory_space<semaphore_mem>>
    %dma_wait3A_216 = arith.constant 0 : i32
    %dma_wait3A_217 = tpu.memref_slice %arg4[%add3A_85, %dma_wait3A_216] : memref<425984x32xf32, #tpu.memory_space<hbm>> -> memref<832x32xf32, #tpu.memory_space<hbm>>
    %dma_wait3A_218 = arith.constant 0 : i32
    %dma_wait3A_219 = arith.constant 0 : i32
    %dma_wait3A_220 = tpu.memref_slice %arg6[%dma_wait3A_206, %dma_wait3A_218, %dma_wait3A_219] : memref<4x832x32xf32, #tpu.memory_space<vmem>> -> memref<1x832x32xf32, #tpu.memory_space<vmem>>
    %dma_wait3A_221 = tpu.memref_squeeze %dma_wait3A_220 : memref<1x832x32xf32, #tpu.memory_space<vmem>> -> memref<832x32xf32, #tpu.memory_space<vmem>>
    tpu.wait_dma2 semaphore(%dma_wait3A_215 : memref<!tpu.dma_semaphore, #tpu.memory_space<semaphore_mem>>) src(%dma_wait3A_221 : memref<832x32xf32, #tpu.memory_space<vmem>>) dst(%dma_wait3A_217 : memref<832x32xf32, #tpu.memory_space<hbm>>)
    %dma_start3A_222 = arith.constant 1 : i32
    %dma_start3A_223 = arith.constant 1 : i32
    %dma_start3A_224 = arith.constant 0 : i32
    %dma_start3A_225 = arith.constant 0 : i32
    %dma_start3A_226 = tpu.memref_slice %arg6[%dma_start3A_222, %dma_start3A_224, %dma_start3A_225] : memref<4x832x32xf32, #tpu.memory_space<vmem>> -> memref<1x832x32xf32, #tpu.memory_space<vmem>>
    %dma_start3A_227 = tpu.memref_squeeze %dma_start3A_226 : memref<1x832x32xf32, #tpu.memory_space<vmem>> -> memref<832x32xf32, #tpu.memory_space<vmem>>
    %dma_start3A_228 = arith.constant 4160 : i32
    %dma_start3A_229 = tpu.memref_slice %arg5[%dma_start3A_228] : memref<13312xi32, #tpu.memory_space<vmem>> -> memref<832xi32, #tpu.memory_space<vmem>>
    %dma_start3A_230 = arith.constant 0 : i32
    %dma_start3A_231 = arith.constant 0 : i32
    %dma_start3A_232 = tpu.memref_slice %arg3[%dma_start3A_230, %dma_start3A_231] : memref<1000000x32xf32, #tpu.memory_space<hbm>> -> memref<1000000x32xf32, #tpu.memory_space<hbm>>
    %dma_start3A_233 = tpu.memref_slice %arg7[%dma_start3A_223] : memref<4x!tpu.dma_semaphore, #tpu.memory_space<semaphore_mem>> -> memref<1x!tpu.dma_semaphore, #tpu.memory_space<semaphore_mem>>
    %dma_start3A_234 = tpu.memref_squeeze %dma_start3A_233 : memref<1x!tpu.dma_semaphore, #tpu.memory_space<semaphore_mem>> -> memref<!tpu.dma_semaphore, #tpu.memory_space<semaphore_mem>>
    tpu.enqueue_indirect_dma source(%dma_start3A_232 : memref<1000000x32xf32, #tpu.memory_space<hbm>>) target(%dma_start3A_227 : memref<832x32xf32, #tpu.memory_space<vmem>>) offsets(%dma_start3A_229 : memref<832xi32, #tpu.memory_space<vmem>>) semaphore(%dma_start3A_234 : memref<!tpu.dma_semaphore, #tpu.memory_space<semaphore_mem>>)
    %dma_wait3A_235 = arith.constant 0 : i32
    %dma_wait3A_236 = arith.constant 0 : i32
    %dma_wait3A_237 = arith.constant 0 : i32
    %dma_wait3A_238 = arith.constant 0 : i32
    %dma_wait3A_239 = tpu.memref_slice %arg6[%dma_wait3A_235, %dma_wait3A_237, %dma_wait3A_238] : memref<4x832x32xf32, #tpu.memory_space<vmem>> -> memref<1x832x32xf32, #tpu.memory_space<vmem>>
    %dma_wait3A_240 = tpu.memref_squeeze %dma_wait3A_239 : memref<1x832x32xf32, #tpu.memory_space<vmem>> -> memref<832x32xf32, #tpu.memory_space<vmem>>
    %dma_wait3A_241 = arith.constant 3328 : i32
    %dma_wait3A_242 = tpu.memref_slice %arg5[%dma_wait3A_241] : memref<13312xi32, #tpu.memory_space<vmem>> -> memref<832xi32, #tpu.memory_space<vmem>>
    %dma_wait3A_243 = arith.constant 0 : i32
    %dma_wait3A_244 = arith.constant 0 : i32
    %dma_wait3A_245 = tpu.memref_slice %arg3[%dma_wait3A_243, %dma_wait3A_244] : memref<1000000x32xf32, #tpu.memory_space<hbm>> -> memref<1000000x32xf32, #tpu.memory_space<hbm>>
    %dma_wait3A_246 = tpu.memref_slice %arg7[%dma_wait3A_236] : memref<4x!tpu.dma_semaphore, #tpu.memory_space<semaphore_mem>> -> memref<1x!tpu.dma_semaphore, #tpu.memory_space<semaphore_mem>>
    %dma_wait3A_247 = tpu.memref_squeeze %dma_wait3A_246 : memref<1x!tpu.dma_semaphore, #tpu.memory_space<semaphore_mem>> -> memref<!tpu.dma_semaphore, #tpu.memory_space<semaphore_mem>>
    tpu.wait_indirect_dma semaphore(%dma_wait3A_247 : memref<!tpu.dma_semaphore, #tpu.memory_space<semaphore_mem>>) src(%dma_wait3A_245 : memref<1000000x32xf32, #tpu.memory_space<hbm>>) dst(%dma_wait3A_240 : memref<832x32xf32, #tpu.memory_space<vmem>>)
    %add3A_248 = arith.constant 3328 : i32
    %add3A_249 = arith.addi %mul3A_2, %add3A_248 : i32
    %dma_start3A_250 = arith.constant 0 : i32
    %dma_start3A_251 = arith.constant 0 : i32
    %dma_start3A_252 = arith.constant 0 : i32
    %dma_start3A_253 = arith.constant 0 : i32
    %dma_start3A_254 = tpu.memref_slice %arg6[%dma_start3A_250, %dma_start3A_252, %dma_start3A_253] : memref<4x832x32xf32, #tpu.memory_space<vmem>> -> memref<1x832x32xf32, #tpu.memory_space<vmem>>
    %dma_start3A_255 = tpu.memref_squeeze %dma_start3A_254 : memref<1x832x32xf32, #tpu.memory_space<vmem>> -> memref<832x32xf32, #tpu.memory_space<vmem>>
    %dma_start3A_256 = arith.constant 0 : i32
    %dma_start3A_257 = tpu.memref_slice %arg4[%add3A_249, %dma_start3A_256] : memref<425984x32xf32, #tpu.memory_space<hbm>> -> memref<832x32xf32, #tpu.memory_space<hbm>>
    %dma_start3A_258 = tpu.memref_slice %arg8[%dma_start3A_251] : memref<4x!tpu.dma_semaphore, #tpu.memory_space<semaphore_mem>> -> memref<1x!tpu.dma_semaphore, #tpu.memory_space<semaphore_mem>>
    %dma_start3A_259 = tpu.memref_squeeze %dma_start3A_258 : memref<1x!tpu.dma_semaphore, #tpu.memory_space<semaphore_mem>> -> memref<!tpu.dma_semaphore, #tpu.memory_space<semaphore_mem>>
    %dma_start3A_260 = arith.constant 0 : i32
    %dma_start3A_261 = tpu.memref_slice %arg4[%add3A_249, %dma_start3A_260] : memref<425984x32xf32, #tpu.memory_space<hbm>> -> memref<832x32xf32, #tpu.memory_space<hbm>>
    %dma_start3A_262 = arith.constant 0 : i32
    %dma_start3A_263 = arith.constant 0 : i32
    %dma_start3A_264 = tpu.memref_slice %arg6[%dma_start3A_250, %dma_start3A_262, %dma_start3A_263] : memref<4x832x32xf32, #tpu.memory_space<vmem>> -> memref<1x832x32xf32, #tpu.memory_space<vmem>>
    %dma_start3A_265 = tpu.memref_squeeze %dma_start3A_264 : memref<1x832x32xf32, #tpu.memory_space<vmem>> -> memref<832x32xf32, #tpu.memory_space<vmem>>
    tpu.enqueue_dma source(%dma_start3A_265 : memref<832x32xf32, #tpu.memory_space<vmem>>) target(%dma_start3A_261 : memref<832x32xf32, #tpu.memory_space<hbm>>) target_semaphore(%dma_start3A_259 : memref<!tpu.dma_semaphore, #tpu.memory_space<semaphore_mem>>)
    %dma_wait3A_266 = arith.constant 2 : i32
    %dma_wait3A_267 = arith.constant 2 : i32
    %dma_wait3A_268 = arith.constant 0 : i32
    %dma_wait3A_269 = arith.constant 0 : i32
    %dma_wait3A_270 = tpu.memref_slice %arg6[%dma_wait3A_266, %dma_wait3A_268, %dma_wait3A_269] : memref<4x832x32xf32, #tpu.memory_space<vmem>> -> memref<1x832x32xf32, #tpu.memory_space<vmem>>
    %dma_wait3A_271 = tpu.memref_squeeze %dma_wait3A_270 : memref<1x832x32xf32, #tpu.memory_space<vmem>> -> memref<832x32xf32, #tpu.memory_space<vmem>>
    %dma_wait3A_272 = arith.constant 0 : i32
    %dma_wait3A_273 = tpu.memref_slice %arg4[%add3A_129, %dma_wait3A_272] : memref<425984x32xf32, #tpu.memory_space<hbm>> -> memref<832x32xf32, #tpu.memory_space<hbm>>
    %dma_wait3A_274 = tpu.memref_slice %arg8[%dma_wait3A_267] : memref<4x!tpu.dma_semaphore, #tpu.memory_space<semaphore_mem>> -> memref<1x!tpu.dma_semaphore, #tpu.memory_space<semaphore_mem>>
    %dma_wait3A_275 = tpu.memref_squeeze %dma_wait3A_274 : memref<1x!tpu.dma_semaphore, #tpu.memory_space<semaphore_mem>> -> memref<!tpu.dma_semaphore, #tpu.memory_space<semaphore_mem>>
    %dma_wait3A_276 = arith.constant 0 : i32
    %dma_wait3A_277 = tpu.memref_slice %arg4[%add3A_129, %dma_wait3A_276] : memref<425984x32xf32, #tpu.memory_space<hbm>> -> memref<832x32xf32, #tpu.memory_space<hbm>>
    %dma_wait3A_278 = arith.constant 0 : i32
    %dma_wait3A_279 = arith.constant 0 : i32
    %dma_wait3A_280 = tpu.memref_slice %arg6[%dma_wait3A_266, %dma_wait3A_278, %dma_wait3A_279] : memref<4x832x32xf32, #tpu.memory_space<vmem>> -> memref<1x832x32xf32, #tpu.memory_space<vmem>>
    %dma_wait3A_281 = tpu.memref_squeeze %dma_wait3A_280 : memref<1x832x32xf32, #tpu.memory_space<vmem>> -> memref<832x32xf32, #tpu.memory_space<vmem>>
    tpu.wait_dma2 semaphore(%dma_wait3A_275 : memref<!tpu.dma_semaphore, #tpu.memory_space<semaphore_mem>>) src(%dma_wait3A_281 : memref<832x32xf32, #tpu.memory_space<vmem>>) dst(%dma_wait3A_277 : memref<832x32xf32, #tpu.memory_space<hbm>>)
    %dma_start3A_282 = arith.constant 2 : i32
    %dma_start3A_283 = arith.constant 2 : i32
    %dma_start3A_284 = arith.constant 0 : i32
    %dma_start3A_285 = arith.constant 0 : i32
    %dma_start3A_286 = tpu.memref_slice %arg6[%dma_start3A_282, %dma_start3A_284, %dma_start3A_285] : memref<4x832x32xf32, #tpu.memory_space<vmem>> -> memref<1x832x32xf32, #tpu.memory_space<vmem>>
    %dma_start3A_287 = tpu.memref_squeeze %dma_start3A_286 : memref<1x832x32xf32, #tpu.memory_space<vmem>> -> memref<832x32xf32, #tpu.memory_space<vmem>>
    %dma_start3A_288 = arith.constant 4992 : i32
    %dma_start3A_289 = tpu.memref_slice %arg5[%dma_start3A_288] : memref<13312xi32, #tpu.memory_space<vmem>> -> memref<832xi32, #tpu.memory_space<vmem>>
    %dma_start3A_290 = arith.constant 0 : i32
    %dma_start3A_291 = arith.constant 0 : i32
    %dma_start3A_292 = tpu.memref_slice %arg3[%dma_start3A_290, %dma_start3A_291] : memref<1000000x32xf32, #tpu.memory_space<hbm>> -> memref<1000000x32xf32, #tpu.memory_space<hbm>>
    %dma_start3A_293 = tpu.memref_slice %arg7[%dma_start3A_283] : memref<4x!tpu.dma_semaphore, #tpu.memory_space<semaphore_mem>> -> memref<1x!tpu.dma_semaphore, #tpu.memory_space<semaphore_mem>>
    %dma_start3A_294 = tpu.memref_squeeze %dma_start3A_293 : memref<1x!tpu.dma_semaphore, #tpu.memory_space<semaphore_mem>> -> memref<!tpu.dma_semaphore, #tpu.memory_space<semaphore_mem>>
    tpu.enqueue_indirect_dma source(%dma_start3A_292 : memref<1000000x32xf32, #tpu.memory_space<hbm>>) target(%dma_start3A_287 : memref<832x32xf32, #tpu.memory_space<vmem>>) offsets(%dma_start3A_289 : memref<832xi32, #tpu.memory_space<vmem>>) semaphore(%dma_start3A_294 : memref<!tpu.dma_semaphore, #tpu.memory_space<semaphore_mem>>)
    %dma_wait3A_295 = arith.constant 1 : i32
    %dma_wait3A_296 = arith.constant 1 : i32
    %dma_wait3A_297 = arith.constant 0 : i32
    %dma_wait3A_298 = arith.constant 0 : i32
    %dma_wait3A_299 = tpu.memref_slice %arg6[%dma_wait3A_295, %dma_wait3A_297, %dma_wait3A_298] : memref<4x832x32xf32, #tpu.memory_space<vmem>> -> memref<1x832x32xf32, #tpu.memory_space<vmem>>
    %dma_wait3A_300 = tpu.memref_squeeze %dma_wait3A_299 : memref<1x832x32xf32, #tpu.memory_space<vmem>> -> memref<832x32xf32, #tpu.memory_space<vmem>>
    %dma_wait3A_301 = arith.constant 4160 : i32
    %dma_wait3A_302 = tpu.memref_slice %arg5[%dma_wait3A_301] : memref<13312xi32, #tpu.memory_space<vmem>> -> memref<832xi32, #tpu.memory_space<vmem>>
    %dma_wait3A_303 = arith.constant 0 : i32
    %dma_wait3A_304 = arith.constant 0 : i32
    %dma_wait3A_305 = tpu.memref_slice %arg3[%dma_wait3A_303, %dma_wait3A_304] : memref<1000000x32xf32, #tpu.memory_space<hbm>> -> memref<1000000x32xf32, #tpu.memory_space<hbm>>
    %dma_wait3A_306 = tpu.memref_slice %arg7[%dma_wait3A_296] : memref<4x!tpu.dma_semaphore, #tpu.memory_space<semaphore_mem>> -> memref<1x!tpu.dma_semaphore, #tpu.memory_space<semaphore_mem>>
    %dma_wait3A_307 = tpu.memref_squeeze %dma_wait3A_306 : memref<1x!tpu.dma_semaphore, #tpu.memory_space<semaphore_mem>> -> memref<!tpu.dma_semaphore, #tpu.memory_space<semaphore_mem>>
    tpu.wait_indirect_dma semaphore(%dma_wait3A_307 : memref<!tpu.dma_semaphore, #tpu.memory_space<semaphore_mem>>) src(%dma_wait3A_305 : memref<1000000x32xf32, #tpu.memory_space<hbm>>) dst(%dma_wait3A_300 : memref<832x32xf32, #tpu.memory_space<vmem>>)
    %add3A_308 = arith.constant 4160 : i32
    %add3A_309 = arith.addi %mul3A_2, %add3A_308 : i32
    %dma_start3A_310 = arith.constant 1 : i32
    %dma_start3A_311 = arith.constant 1 : i32
    %dma_start3A_312 = arith.constant 0 : i32
    %dma_start3A_313 = arith.constant 0 : i32
    %dma_start3A_314 = tpu.memref_slice %arg6[%dma_start3A_310, %dma_start3A_312, %dma_start3A_313] : memref<4x832x32xf32, #tpu.memory_space<vmem>> -> memref<1x832x32xf32, #tpu.memory_space<vmem>>
    %dma_start3A_315 = tpu.memref_squeeze %dma_start3A_314 : memref<1x832x32xf32, #tpu.memory_space<vmem>> -> memref<832x32xf32, #tpu.memory_space<vmem>>
    %dma_start3A_316 = arith.constant 0 : i32
    %dma_start3A_317 = tpu.memref_slice %arg4[%add3A_309, %dma_start3A_316] : memref<425984x32xf32, #tpu.memory_space<hbm>> -> memref<832x32xf32, #tpu.memory_space<hbm>>
    %dma_start3A_318 = tpu.memref_slice %arg8[%dma_start3A_311] : memref<4x!tpu.dma_semaphore, #tpu.memory_space<semaphore_mem>> -> memref<1x!tpu.dma_semaphore, #tpu.memory_space<semaphore_mem>>
    %dma_start3A_319 = tpu.memref_squeeze %dma_start3A_318 : memref<1x!tpu.dma_semaphore, #tpu.memory_space<semaphore_mem>> -> memref<!tpu.dma_semaphore, #tpu.memory_space<semaphore_mem>>
    %dma_start3A_320 = arith.constant 0 : i32
    %dma_start3A_321 = tpu.memref_slice %arg4[%add3A_309, %dma_start3A_320] : memref<425984x32xf32, #tpu.memory_space<hbm>> -> memref<832x32xf32, #tpu.memory_space<hbm>>
    %dma_start3A_322 = arith.constant 0 : i32
    %dma_start3A_323 = arith.constant 0 : i32
    %dma_start3A_324 = tpu.memref_slice %arg6[%dma_start3A_310, %dma_start3A_322, %dma_start3A_323] : memref<4x832x32xf32, #tpu.memory_space<vmem>> -> memref<1x832x32xf32, #tpu.memory_space<vmem>>
    %dma_start3A_325 = tpu.memref_squeeze %dma_start3A_324 : memref<1x832x32xf32, #tpu.memory_space<vmem>> -> memref<832x32xf32, #tpu.memory_space<vmem>>
    tpu.enqueue_dma source(%dma_start3A_325 : memref<832x32xf32, #tpu.memory_space<vmem>>) target(%dma_start3A_321 : memref<832x32xf32, #tpu.memory_space<hbm>>) target_semaphore(%dma_start3A_319 : memref<!tpu.dma_semaphore, #tpu.memory_space<semaphore_mem>>)
    %dma_wait3A_326 = arith.constant 3 : i32
    %dma_wait3A_327 = arith.constant 3 : i32
    %dma_wait3A_328 = arith.constant 0 : i32
    %dma_wait3A_329 = arith.constant 0 : i32
    %dma_wait3A_330 = tpu.memref_slice %arg6[%dma_wait3A_326, %dma_wait3A_328, %dma_wait3A_329] : memref<4x832x32xf32, #tpu.memory_space<vmem>> -> memref<1x832x32xf32, #tpu.memory_space<vmem>>
    %dma_wait3A_331 = tpu.memref_squeeze %dma_wait3A_330 : memref<1x832x32xf32, #tpu.memory_space<vmem>> -> memref<832x32xf32, #tpu.memory_space<vmem>>
    %dma_wait3A_332 = arith.constant 0 : i32
    %dma_wait3A_333 = tpu.memref_slice %arg4[%add3A_189, %dma_wait3A_332] : memref<425984x32xf32, #tpu.memory_space<hbm>> -> memref<832x32xf32, #tpu.memory_space<hbm>>
    %dma_wait3A_334 = tpu.memref_slice %arg8[%dma_wait3A_327] : memref<4x!tpu.dma_semaphore, #tpu.memory_space<semaphore_mem>> -> memref<1x!tpu.dma_semaphore, #tpu.memory_space<semaphore_mem>>
    %dma_wait3A_335 = tpu.memref_squeeze %dma_wait3A_334 : memref<1x!tpu.dma_semaphore, #tpu.memory_space<semaphore_mem>> -> memref<!tpu.dma_semaphore, #tpu.memory_space<semaphore_mem>>
    %dma_wait3A_336 = arith.constant 0 : i32
    %dma_wait3A_337 = tpu.memref_slice %arg4[%add3A_189, %dma_wait3A_336] : memref<425984x32xf32, #tpu.memory_space<hbm>> -> memref<832x32xf32, #tpu.memory_space<hbm>>
    %dma_wait3A_338 = arith.constant 0 : i32
    %dma_wait3A_339 = arith.constant 0 : i32
    %dma_wait3A_340 = tpu.memref_slice %arg6[%dma_wait3A_326, %dma_wait3A_338, %dma_wait3A_339] : memref<4x832x32xf32, #tpu.memory_space<vmem>> -> memref<1x832x32xf32, #tpu.memory_space<vmem>>
    %dma_wait3A_341 = tpu.memref_squeeze %dma_wait3A_340 : memref<1x832x32xf32, #tpu.memory_space<vmem>> -> memref<832x32xf32, #tpu.memory_space<vmem>>
    tpu.wait_dma2 semaphore(%dma_wait3A_335 : memref<!tpu.dma_semaphore, #tpu.memory_space<semaphore_mem>>) src(%dma_wait3A_341 : memref<832x32xf32, #tpu.memory_space<vmem>>) dst(%dma_wait3A_337 : memref<832x32xf32, #tpu.memory_space<hbm>>)
    %dma_start3A_342 = arith.constant 3 : i32
    %dma_start3A_343 = arith.constant 3 : i32
    %dma_start3A_344 = arith.constant 0 : i32
    %dma_start3A_345 = arith.constant 0 : i32
    %dma_start3A_346 = tpu.memref_slice %arg6[%dma_start3A_342, %dma_start3A_344, %dma_start3A_345] : memref<4x832x32xf32, #tpu.memory_space<vmem>> -> memref<1x832x32xf32, #tpu.memory_space<vmem>>
    %dma_start3A_347 = tpu.memref_squeeze %dma_start3A_346 : memref<1x832x32xf32, #tpu.memory_space<vmem>> -> memref<832x32xf32, #tpu.memory_space<vmem>>
    %dma_start3A_348 = arith.constant 5824 : i32
    %dma_start3A_349 = tpu.memref_slice %arg5[%dma_start3A_348] : memref<13312xi32, #tpu.memory_space<vmem>> -> memref<832xi32, #tpu.memory_space<vmem>>
    %dma_start3A_350 = arith.constant 0 : i32
    %dma_start3A_351 = arith.constant 0 : i32
    %dma_start3A_352 = tpu.memref_slice %arg3[%dma_start3A_350, %dma_start3A_351] : memref<1000000x32xf32, #tpu.memory_space<hbm>> -> memref<1000000x32xf32, #tpu.memory_space<hbm>>
    %dma_start3A_353 = tpu.memref_slice %arg7[%dma_start3A_343] : memref<4x!tpu.dma_semaphore, #tpu.memory_space<semaphore_mem>> -> memref<1x!tpu.dma_semaphore, #tpu.memory_space<semaphore_mem>>
    %dma_start3A_354 = tpu.memref_squeeze %dma_start3A_353 : memref<1x!tpu.dma_semaphore, #tpu.memory_space<semaphore_mem>> -> memref<!tpu.dma_semaphore, #tpu.memory_space<semaphore_mem>>
    tpu.enqueue_indirect_dma source(%dma_start3A_352 : memref<1000000x32xf32, #tpu.memory_space<hbm>>) target(%dma_start3A_347 : memref<832x32xf32, #tpu.memory_space<vmem>>) offsets(%dma_start3A_349 : memref<832xi32, #tpu.memory_space<vmem>>) semaphore(%dma_start3A_354 : memref<!tpu.dma_semaphore, #tpu.memory_space<semaphore_mem>>)
    %dma_wait3A_355 = arith.constant 2 : i32
    %dma_wait3A_356 = arith.constant 2 : i32
    %dma_wait3A_357 = arith.constant 0 : i32
    %dma_wait3A_358 = arith.constant 0 : i32
    %dma_wait3A_359 = tpu.memref_slice %arg6[%dma_wait3A_355, %dma_wait3A_357, %dma_wait3A_358] : memref<4x832x32xf32, #tpu.memory_space<vmem>> -> memref<1x832x32xf32, #tpu.memory_space<vmem>>
    %dma_wait3A_360 = tpu.memref_squeeze %dma_wait3A_359 : memref<1x832x32xf32, #tpu.memory_space<vmem>> -> memref<832x32xf32, #tpu.memory_space<vmem>>
    %dma_wait3A_361 = arith.constant 4992 : i32
    %dma_wait3A_362 = tpu.memref_slice %arg5[%dma_wait3A_361] : memref<13312xi32, #tpu.memory_space<vmem>> -> memref<832xi32, #tpu.memory_space<vmem>>
    %dma_wait3A_363 = arith.constant 0 : i32
    %dma_wait3A_364 = arith.constant 0 : i32
    %dma_wait3A_365 = tpu.memref_slice %arg3[%dma_wait3A_363, %dma_wait3A_364] : memref<1000000x32xf32, #tpu.memory_space<hbm>> -> memref<1000000x32xf32, #tpu.memory_space<hbm>>
    %dma_wait3A_366 = tpu.memref_slice %arg7[%dma_wait3A_356] : memref<4x!tpu.dma_semaphore, #tpu.memory_space<semaphore_mem>> -> memref<1x!tpu.dma_semaphore, #tpu.memory_space<semaphore_mem>>
    %dma_wait3A_367 = tpu.memref_squeeze %dma_wait3A_366 : memref<1x!tpu.dma_semaphore, #tpu.memory_space<semaphore_mem>> -> memref<!tpu.dma_semaphore, #tpu.memory_space<semaphore_mem>>
    tpu.wait_indirect_dma semaphore(%dma_wait3A_367 : memref<!tpu.dma_semaphore, #tpu.memory_space<semaphore_mem>>) src(%dma_wait3A_365 : memref<1000000x32xf32, #tpu.memory_space<hbm>>) dst(%dma_wait3A_360 : memref<832x32xf32, #tpu.memory_space<vmem>>)
    %add3A_368 = arith.constant 4992 : i32
    %add3A_369 = arith.addi %mul3A_2, %add3A_368 : i32
    %dma_start3A_370 = arith.constant 2 : i32
    %dma_start3A_371 = arith.constant 2 : i32
    %dma_start3A_372 = arith.constant 0 : i32
    %dma_start3A_373 = arith.constant 0 : i32
    %dma_start3A_374 = tpu.memref_slice %arg6[%dma_start3A_370, %dma_start3A_372, %dma_start3A_373] : memref<4x832x32xf32, #tpu.memory_space<vmem>> -> memref<1x832x32xf32, #tpu.memory_space<vmem>>
    %dma_start3A_375 = tpu.memref_squeeze %dma_start3A_374 : memref<1x832x32xf32, #tpu.memory_space<vmem>> -> memref<832x32xf32, #tpu.memory_space<vmem>>
    %dma_start3A_376 = arith.constant 0 : i32
    %dma_start3A_377 = tpu.memref_slice %arg4[%add3A_369, %dma_start3A_376] : memref<425984x32xf32, #tpu.memory_space<hbm>> -> memref<832x32xf32, #tpu.memory_space<hbm>>
    %dma_start3A_378 = tpu.memref_slice %arg8[%dma_start3A_371] : memref<4x!tpu.dma_semaphore, #tpu.memory_space<semaphore_mem>> -> memref<1x!tpu.dma_semaphore, #tpu.memory_space<semaphore_mem>>
    %dma_start3A_379 = tpu.memref_squeeze %dma_start3A_378 : memref<1x!tpu.dma_semaphore, #tpu.memory_space<semaphore_mem>> -> memref<!tpu.dma_semaphore, #tpu.memory_space<semaphore_mem>>
    %dma_start3A_380 = arith.constant 0 : i32
    %dma_start3A_381 = tpu.memref_slice %arg4[%add3A_369, %dma_start3A_380] : memref<425984x32xf32, #tpu.memory_space<hbm>> -> memref<832x32xf32, #tpu.memory_space<hbm>>
    %dma_start3A_382 = arith.constant 0 : i32
    %dma_start3A_383 = arith.constant 0 : i32
    %dma_start3A_384 = tpu.memref_slice %arg6[%dma_start3A_370, %dma_start3A_382, %dma_start3A_383] : memref<4x832x32xf32, #tpu.memory_space<vmem>> -> memref<1x832x32xf32, #tpu.memory_space<vmem>>
    %dma_start3A_385 = tpu.memref_squeeze %dma_start3A_384 : memref<1x832x32xf32, #tpu.memory_space<vmem>> -> memref<832x32xf32, #tpu.memory_space<vmem>>
    tpu.enqueue_dma source(%dma_start3A_385 : memref<832x32xf32, #tpu.memory_space<vmem>>) target(%dma_start3A_381 : memref<832x32xf32, #tpu.memory_space<hbm>>) target_semaphore(%dma_start3A_379 : memref<!tpu.dma_semaphore, #tpu.memory_space<semaphore_mem>>)
    %dma_wait3A_386 = arith.constant 0 : i32
    %dma_wait3A_387 = arith.constant 0 : i32
    %dma_wait3A_388 = arith.constant 0 : i32
    %dma_wait3A_389 = arith.constant 0 : i32
    %dma_wait3A_390 = tpu.memref_slice %arg6[%dma_wait3A_386, %dma_wait3A_388, %dma_wait3A_389] : memref<4x832x32xf32, #tpu.memory_space<vmem>> -> memref<1x832x32xf32, #tpu.memory_space<vmem>>
    %dma_wait3A_391 = tpu.memref_squeeze %dma_wait3A_390 : memref<1x832x32xf32, #tpu.memory_space<vmem>> -> memref<832x32xf32, #tpu.memory_space<vmem>>
    %dma_wait3A_392 = arith.constant 0 : i32
    %dma_wait3A_393 = tpu.memref_slice %arg4[%add3A_249, %dma_wait3A_392] : memref<425984x32xf32, #tpu.memory_space<hbm>> -> memref<832x32xf32, #tpu.memory_space<hbm>>
    %dma_wait3A_394 = tpu.memref_slice %arg8[%dma_wait3A_387] : memref<4x!tpu.dma_semaphore, #tpu.memory_space<semaphore_mem>> -> memref<1x!tpu.dma_semaphore, #tpu.memory_space<semaphore_mem>>
    %dma_wait3A_395 = tpu.memref_squeeze %dma_wait3A_394 : memref<1x!tpu.dma_semaphore, #tpu.memory_space<semaphore_mem>> -> memref<!tpu.dma_semaphore, #tpu.memory_space<semaphore_mem>>
    %dma_wait3A_396 = arith.constant 0 : i32
    %dma_wait3A_397 = tpu.memref_slice %arg4[%add3A_249, %dma_wait3A_396] : memref<425984x32xf32, #tpu.memory_space<hbm>> -> memref<832x32xf32, #tpu.memory_space<hbm>>
    %dma_wait3A_398 = arith.constant 0 : i32
    %dma_wait3A_399 = arith.constant 0 : i32
    %dma_wait3A_400 = tpu.memref_slice %arg6[%dma_wait3A_386, %dma_wait3A_398, %dma_wait3A_399] : memref<4x832x32xf32, #tpu.memory_space<vmem>> -> memref<1x832x32xf32, #tpu.memory_space<vmem>>
    %dma_wait3A_401 = tpu.memref_squeeze %dma_wait3A_400 : memref<1x832x32xf32, #tpu.memory_space<vmem>> -> memref<832x32xf32, #tpu.memory_space<vmem>>
    tpu.wait_dma2 semaphore(%dma_wait3A_395 : memref<!tpu.dma_semaphore, #tpu.memory_space<semaphore_mem>>) src(%dma_wait3A_401 : memref<832x32xf32, #tpu.memory_space<vmem>>) dst(%dma_wait3A_397 : memref<832x32xf32, #tpu.memory_space<hbm>>)
    %dma_start3A_402 = arith.constant 0 : i32
    %dma_start3A_403 = arith.constant 0 : i32
    %dma_start3A_404 = arith.constant 0 : i32
    %dma_start3A_405 = arith.constant 0 : i32
    %dma_start3A_406 = tpu.memref_slice %arg6[%dma_start3A_402, %dma_start3A_404, %dma_start3A_405] : memref<4x832x32xf32, #tpu.memory_space<vmem>> -> memref<1x832x32xf32, #tpu.memory_space<vmem>>
    %dma_start3A_407 = tpu.memref_squeeze %dma_start3A_406 : memref<1x832x32xf32, #tpu.memory_space<vmem>> -> memref<832x32xf32, #tpu.memory_space<vmem>>
    %dma_start3A_408 = arith.constant 6656 : i32
    %dma_start3A_409 = tpu.memref_slice %arg5[%dma_start3A_408] : memref<13312xi32, #tpu.memory_space<vmem>> -> memref<832xi32, #tpu.memory_space<vmem>>
    %dma_start3A_410 = arith.constant 0 : i32
    %dma_start3A_411 = arith.constant 0 : i32
    %dma_start3A_412 = tpu.memref_slice %arg3[%dma_start3A_410, %dma_start3A_411] : memref<1000000x32xf32, #tpu.memory_space<hbm>> -> memref<1000000x32xf32, #tpu.memory_space<hbm>>
    %dma_start3A_413 = tpu.memref_slice %arg7[%dma_start3A_403] : memref<4x!tpu.dma_semaphore, #tpu.memory_space<semaphore_mem>> -> memref<1x!tpu.dma_semaphore, #tpu.memory_space<semaphore_mem>>
    %dma_start3A_414 = tpu.memref_squeeze %dma_start3A_413 : memref<1x!tpu.dma_semaphore, #tpu.memory_space<semaphore_mem>> -> memref<!tpu.dma_semaphore, #tpu.memory_space<semaphore_mem>>
    tpu.enqueue_indirect_dma source(%dma_start3A_412 : memref<1000000x32xf32, #tpu.memory_space<hbm>>) target(%dma_start3A_407 : memref<832x32xf32, #tpu.memory_space<vmem>>) offsets(%dma_start3A_409 : memref<832xi32, #tpu.memory_space<vmem>>) semaphore(%dma_start3A_414 : memref<!tpu.dma_semaphore, #tpu.memory_space<semaphore_mem>>)
    %dma_wait3A_415 = arith.constant 3 : i32
    %dma_wait3A_416 = arith.constant 3 : i32
    %dma_wait3A_417 = arith.constant 0 : i32
    %dma_wait3A_418 = arith.constant 0 : i32
    %dma_wait3A_419 = tpu.memref_slice %arg6[%dma_wait3A_415, %dma_wait3A_417, %dma_wait3A_418] : memref<4x832x32xf32, #tpu.memory_space<vmem>> -> memref<1x832x32xf32, #tpu.memory_space<vmem>>
    %dma_wait3A_420 = tpu.memref_squeeze %dma_wait3A_419 : memref<1x832x32xf32, #tpu.memory_space<vmem>> -> memref<832x32xf32, #tpu.memory_space<vmem>>
    %dma_wait3A_421 = arith.constant 5824 : i32
    %dma_wait3A_422 = tpu.memref_slice %arg5[%dma_wait3A_421] : memref<13312xi32, #tpu.memory_space<vmem>> -> memref<832xi32, #tpu.memory_space<vmem>>
    %dma_wait3A_423 = arith.constant 0 : i32
    %dma_wait3A_424 = arith.constant 0 : i32
    %dma_wait3A_425 = tpu.memref_slice %arg3[%dma_wait3A_423, %dma_wait3A_424] : memref<1000000x32xf32, #tpu.memory_space<hbm>> -> memref<1000000x32xf32, #tpu.memory_space<hbm>>
    %dma_wait3A_426 = tpu.memref_slice %arg7[%dma_wait3A_416] : memref<4x!tpu.dma_semaphore, #tpu.memory_space<semaphore_mem>> -> memref<1x!tpu.dma_semaphore, #tpu.memory_space<semaphore_mem>>
    %dma_wait3A_427 = tpu.memref_squeeze %dma_wait3A_426 : memref<1x!tpu.dma_semaphore, #tpu.memory_space<semaphore_mem>> -> memref<!tpu.dma_semaphore, #tpu.memory_space<semaphore_mem>>
    tpu.wait_indirect_dma semaphore(%dma_wait3A_427 : memref<!tpu.dma_semaphore, #tpu.memory_space<semaphore_mem>>) src(%dma_wait3A_425 : memref<1000000x32xf32, #tpu.memory_space<hbm>>) dst(%dma_wait3A_420 : memref<832x32xf32, #tpu.memory_space<vmem>>)
    %add3A_428 = arith.constant 5824 : i32
    %add3A_429 = arith.addi %mul3A_2, %add3A_428 : i32
    %dma_start3A_430 = arith.constant 3 : i32
    %dma_start3A_431 = arith.constant 3 : i32
    %dma_start3A_432 = arith.constant 0 : i32
    %dma_start3A_433 = arith.constant 0 : i32
    %dma_start3A_434 = tpu.memref_slice %arg6[%dma_start3A_430, %dma_start3A_432, %dma_start3A_433] : memref<4x832x32xf32, #tpu.memory_space<vmem>> -> memref<1x832x32xf32, #tpu.memory_space<vmem>>
    %dma_start3A_435 = tpu.memref_squeeze %dma_start3A_434 : memref<1x832x32xf32, #tpu.memory_space<vmem>> -> memref<832x32xf32, #tpu.memory_space<vmem>>
    %dma_start3A_436 = arith.constant 0 : i32
    %dma_start3A_437 = tpu.memref_slice %arg4[%add3A_429, %dma_start3A_436] : memref<425984x32xf32, #tpu.memory_space<hbm>> -> memref<832x32xf32, #tpu.memory_space<hbm>>
    %dma_start3A_438 = tpu.memref_slice %arg8[%dma_start3A_431] : memref<4x!tpu.dma_semaphore, #tpu.memory_space<semaphore_mem>> -> memref<1x!tpu.dma_semaphore, #tpu.memory_space<semaphore_mem>>
    %dma_start3A_439 = tpu.memref_squeeze %dma_start3A_438 : memref<1x!tpu.dma_semaphore, #tpu.memory_space<semaphore_mem>> -> memref<!tpu.dma_semaphore, #tpu.memory_space<semaphore_mem>>
    %dma_start3A_440 = arith.constant 0 : i32
    %dma_start3A_441 = tpu.memref_slice %arg4[%add3A_429, %dma_start3A_440] : memref<425984x32xf32, #tpu.memory_space<hbm>> -> memref<832x32xf32, #tpu.memory_space<hbm>>
    %dma_start3A_442 = arith.constant 0 : i32
    %dma_start3A_443 = arith.constant 0 : i32
    %dma_start3A_444 = tpu.memref_slice %arg6[%dma_start3A_430, %dma_start3A_442, %dma_start3A_443] : memref<4x832x32xf32, #tpu.memory_space<vmem>> -> memref<1x832x32xf32, #tpu.memory_space<vmem>>
    %dma_start3A_445 = tpu.memref_squeeze %dma_start3A_444 : memref<1x832x32xf32, #tpu.memory_space<vmem>> -> memref<832x32xf32, #tpu.memory_space<vmem>>
    tpu.enqueue_dma source(%dma_start3A_445 : memref<832x32xf32, #tpu.memory_space<vmem>>) target(%dma_start3A_441 : memref<832x32xf32, #tpu.memory_space<hbm>>) target_semaphore(%dma_start3A_439 : memref<!tpu.dma_semaphore, #tpu.memory_space<semaphore_mem>>)
    %dma_wait3A_446 = arith.constant 1 : i32
    %dma_wait3A_447 = arith.constant 1 : i32
    %dma_wait3A_448 = arith.constant 0 : i32
    %dma_wait3A_449 = arith.constant 0 : i32
    %dma_wait3A_450 = tpu.memref_slice %arg6[%dma_wait3A_446, %dma_wait3A_448, %dma_wait3A_449] : memref<4x832x32xf32, #tpu.memory_space<vmem>> -> memref<1x832x32xf32, #tpu.memory_space<vmem>>
    %dma_wait3A_451 = tpu.memref_squeeze %dma_wait3A_450 : memref<1x832x32xf32, #tpu.memory_space<vmem>> -> memref<832x32xf32, #tpu.memory_space<vmem>>
    %dma_wait3A_452 = arith.constant 0 : i32
    %dma_wait3A_453 = tpu.memref_slice %arg4[%add3A_309, %dma_wait3A_452] : memref<425984x32xf32, #tpu.memory_space<hbm>> -> memref<832x32xf32, #tpu.memory_space<hbm>>
    %dma_wait3A_454 = tpu.memref_slice %arg8[%dma_wait3A_447] : memref<4x!tpu.dma_semaphore, #tpu.memory_space<semaphore_mem>> -> memref<1x!tpu.dma_semaphore, #tpu.memory_space<semaphore_mem>>
    %dma_wait3A_455 = tpu.memref_squeeze %dma_wait3A_454 : memref<1x!tpu.dma_semaphore, #tpu.memory_space<semaphore_mem>> -> memref<!tpu.dma_semaphore, #tpu.memory_space<semaphore_mem>>
    %dma_wait3A_456 = arith.constant 0 : i32
    %dma_wait3A_457 = tpu.memref_slice %arg4[%add3A_309, %dma_wait3A_456] : memref<425984x32xf32, #tpu.memory_space<hbm>> -> memref<832x32xf32, #tpu.memory_space<hbm>>
    %dma_wait3A_458 = arith.constant 0 : i32
    %dma_wait3A_459 = arith.constant 0 : i32
    %dma_wait3A_460 = tpu.memref_slice %arg6[%dma_wait3A_446, %dma_wait3A_458, %dma_wait3A_459] : memref<4x832x32xf32, #tpu.memory_space<vmem>> -> memref<1x832x32xf32, #tpu.memory_space<vmem>>
    %dma_wait3A_461 = tpu.memref_squeeze %dma_wait3A_460 : memref<1x832x32xf32, #tpu.memory_space<vmem>> -> memref<832x32xf32, #tpu.memory_space<vmem>>
    tpu.wait_dma2 semaphore(%dma_wait3A_455 : memref<!tpu.dma_semaphore, #tpu.memory_space<semaphore_mem>>) src(%dma_wait3A_461 : memref<832x32xf32, #tpu.memory_space<vmem>>) dst(%dma_wait3A_457 : memref<832x32xf32, #tpu.memory_space<hbm>>)
    %dma_start3A_462 = arith.constant 1 : i32
    %dma_start3A_463 = arith.constant 1 : i32
    %dma_start3A_464 = arith.constant 0 : i32
    %dma_start3A_465 = arith.constant 0 : i32
    %dma_start3A_466 = tpu.memref_slice %arg6[%dma_start3A_462, %dma_start3A_464, %dma_start3A_465] : memref<4x832x32xf32, #tpu.memory_space<vmem>> -> memref<1x832x32xf32, #tpu.memory_space<vmem>>
    %dma_start3A_467 = tpu.memref_squeeze %dma_start3A_466 : memref<1x832x32xf32, #tpu.memory_space<vmem>> -> memref<832x32xf32, #tpu.memory_space<vmem>>
    %dma_start3A_468 = arith.constant 7488 : i32
    %dma_start3A_469 = tpu.memref_slice %arg5[%dma_start3A_468] : memref<13312xi32, #tpu.memory_space<vmem>> -> memref<832xi32, #tpu.memory_space<vmem>>
    %dma_start3A_470 = arith.constant 0 : i32
    %dma_start3A_471 = arith.constant 0 : i32
    %dma_start3A_472 = tpu.memref_slice %arg3[%dma_start3A_470, %dma_start3A_471] : memref<1000000x32xf32, #tpu.memory_space<hbm>> -> memref<1000000x32xf32, #tpu.memory_space<hbm>>
    %dma_start3A_473 = tpu.memref_slice %arg7[%dma_start3A_463] : memref<4x!tpu.dma_semaphore, #tpu.memory_space<semaphore_mem>> -> memref<1x!tpu.dma_semaphore, #tpu.memory_space<semaphore_mem>>
    %dma_start3A_474 = tpu.memref_squeeze %dma_start3A_473 : memref<1x!tpu.dma_semaphore, #tpu.memory_space<semaphore_mem>> -> memref<!tpu.dma_semaphore, #tpu.memory_space<semaphore_mem>>
    tpu.enqueue_indirect_dma source(%dma_start3A_472 : memref<1000000x32xf32, #tpu.memory_space<hbm>>) target(%dma_start3A_467 : memref<832x32xf32, #tpu.memory_space<vmem>>) offsets(%dma_start3A_469 : memref<832xi32, #tpu.memory_space<vmem>>) semaphore(%dma_start3A_474 : memref<!tpu.dma_semaphore, #tpu.memory_space<semaphore_mem>>)
    %dma_wait3A_475 = arith.constant 0 : i32
    %dma_wait3A_476 = arith.constant 0 : i32
    %dma_wait3A_477 = arith.constant 0 : i32
    %dma_wait3A_478 = arith.constant 0 : i32
    %dma_wait3A_479 = tpu.memref_slice %arg6[%dma_wait3A_475, %dma_wait3A_477, %dma_wait3A_478] : memref<4x832x32xf32, #tpu.memory_space<vmem>> -> memref<1x832x32xf32, #tpu.memory_space<vmem>>
    %dma_wait3A_480 = tpu.memref_squeeze %dma_wait3A_479 : memref<1x832x32xf32, #tpu.memory_space<vmem>> -> memref<832x32xf32, #tpu.memory_space<vmem>>
    %dma_wait3A_481 = arith.constant 6656 : i32
    %dma_wait3A_482 = tpu.memref_slice %arg5[%dma_wait3A_481] : memref<13312xi32, #tpu.memory_space<vmem>> -> memref<832xi32, #tpu.memory_space<vmem>>
    %dma_wait3A_483 = arith.constant 0 : i32
    %dma_wait3A_484 = arith.constant 0 : i32
    %dma_wait3A_485 = tpu.memref_slice %arg3[%dma_wait3A_483, %dma_wait3A_484] : memref<1000000x32xf32, #tpu.memory_space<hbm>> -> memref<1000000x32xf32, #tpu.memory_space<hbm>>
    %dma_wait3A_486 = tpu.memref_slice %arg7[%dma_wait3A_476] : memref<4x!tpu.dma_semaphore, #tpu.memory_space<semaphore_mem>> -> memref<1x!tpu.dma_semaphore, #tpu.memory_space<semaphore_mem>>
    %dma_wait3A_487 = tpu.memref_squeeze %dma_wait3A_486 : memref<1x!tpu.dma_semaphore, #tpu.memory_space<semaphore_mem>> -> memref<!tpu.dma_semaphore, #tpu.memory_space<semaphore_mem>>
    tpu.wait_indirect_dma semaphore(%dma_wait3A_487 : memref<!tpu.dma_semaphore, #tpu.memory_space<semaphore_mem>>) src(%dma_wait3A_485 : memref<1000000x32xf32, #tpu.memory_space<hbm>>) dst(%dma_wait3A_480 : memref<832x32xf32, #tpu.memory_space<vmem>>)
    %add3A_488 = arith.constant 6656 : i32
    %add3A_489 = arith.addi %mul3A_2, %add3A_488 : i32
    %dma_start3A_490 = arith.constant 0 : i32
    %dma_start3A_491 = arith.constant 0 : i32
    %dma_start3A_492 = arith.constant 0 : i32
    %dma_start3A_493 = arith.constant 0 : i32
    %dma_start3A_494 = tpu.memref_slice %arg6[%dma_start3A_490, %dma_start3A_492, %dma_start3A_493] : memref<4x832x32xf32, #tpu.memory_space<vmem>> -> memref<1x832x32xf32, #tpu.memory_space<vmem>>
    %dma_start3A_495 = tpu.memref_squeeze %dma_start3A_494 : memref<1x832x32xf32, #tpu.memory_space<vmem>> -> memref<832x32xf32, #tpu.memory_space<vmem>>
    %dma_start3A_496 = arith.constant 0 : i32
    %dma_start3A_497 = tpu.memref_slice %arg4[%add3A_489, %dma_start3A_496] : memref<425984x32xf32, #tpu.memory_space<hbm>> -> memref<832x32xf32, #tpu.memory_space<hbm>>
    %dma_start3A_498 = tpu.memref_slice %arg8[%dma_start3A_491] : memref<4x!tpu.dma_semaphore, #tpu.memory_space<semaphore_mem>> -> memref<1x!tpu.dma_semaphore, #tpu.memory_space<semaphore_mem>>
    %dma_start3A_499 = tpu.memref_squeeze %dma_start3A_498 : memref<1x!tpu.dma_semaphore, #tpu.memory_space<semaphore_mem>> -> memref<!tpu.dma_semaphore, #tpu.memory_space<semaphore_mem>>
    %dma_start3A_500 = arith.constant 0 : i32
    %dma_start3A_501 = tpu.memref_slice %arg4[%add3A_489, %dma_start3A_500] : memref<425984x32xf32, #tpu.memory_space<hbm>> -> memref<832x32xf32, #tpu.memory_space<hbm>>
    %dma_start3A_502 = arith.constant 0 : i32
    %dma_start3A_503 = arith.constant 0 : i32
    %dma_start3A_504 = tpu.memref_slice %arg6[%dma_start3A_490, %dma_start3A_502, %dma_start3A_503] : memref<4x832x32xf32, #tpu.memory_space<vmem>> -> memref<1x832x32xf32, #tpu.memory_space<vmem>>
    %dma_start3A_505 = tpu.memref_squeeze %dma_start3A_504 : memref<1x832x32xf32, #tpu.memory_space<vmem>> -> memref<832x32xf32, #tpu.memory_space<vmem>>
    tpu.enqueue_dma source(%dma_start3A_505 : memref<832x32xf32, #tpu.memory_space<vmem>>) target(%dma_start3A_501 : memref<832x32xf32, #tpu.memory_space<hbm>>) target_semaphore(%dma_start3A_499 : memref<!tpu.dma_semaphore, #tpu.memory_space<semaphore_mem>>)
    %dma_wait3A_506 = arith.constant 2 : i32
    %dma_wait3A_507 = arith.constant 2 : i32
    %dma_wait3A_508 = arith.constant 0 : i32
    %dma_wait3A_509 = arith.constant 0 : i32
    %dma_wait3A_510 = tpu.memref_slice %arg6[%dma_wait3A_506, %dma_wait3A_508, %dma_wait3A_509] : memref<4x832x32xf32, #tpu.memory_space<vmem>> -> memref<1x832x32xf32, #tpu.memory_space<vmem>>
    %dma_wait3A_511 = tpu.memref_squeeze %dma_wait3A_510 : memref<1x832x32xf32, #tpu.memory_space<vmem>> -> memref<832x32xf32, #tpu.memory_space<vmem>>
    %dma_wait3A_512 = arith.constant 0 : i32
    %dma_wait3A_513 = tpu.memref_slice %arg4[%add3A_369, %dma_wait3A_512] : memref<425984x32xf32, #tpu.memory_space<hbm>> -> memref<832x32xf32, #tpu.memory_space<hbm>>
    %dma_wait3A_514 = tpu.memref_slice %arg8[%dma_wait3A_507] : memref<4x!tpu.dma_semaphore, #tpu.memory_space<semaphore_mem>> -> memref<1x!tpu.dma_semaphore, #tpu.memory_space<semaphore_mem>>
    %dma_wait3A_515 = tpu.memref_squeeze %dma_wait3A_514 : memref<1x!tpu.dma_semaphore, #tpu.memory_space<semaphore_mem>> -> memref<!tpu.dma_semaphore, #tpu.memory_space<semaphore_mem>>
    %dma_wait3A_516 = arith.constant 0 : i32
    %dma_wait3A_517 = tpu.memref_slice %arg4[%add3A_369, %dma_wait3A_516] : memref<425984x32xf32, #tpu.memory_space<hbm>> -> memref<832x32xf32, #tpu.memory_space<hbm>>
    %dma_wait3A_518 = arith.constant 0 : i32
    %dma_wait3A_519 = arith.constant 0 : i32
    %dma_wait3A_520 = tpu.memref_slice %arg6[%dma_wait3A_506, %dma_wait3A_518, %dma_wait3A_519] : memref<4x832x32xf32, #tpu.memory_space<vmem>> -> memref<1x832x32xf32, #tpu.memory_space<vmem>>
    %dma_wait3A_521 = tpu.memref_squeeze %dma_wait3A_520 : memref<1x832x32xf32, #tpu.memory_space<vmem>> -> memref<832x32xf32, #tpu.memory_space<vmem>>
    tpu.wait_dma2 semaphore(%dma_wait3A_515 : memref<!tpu.dma_semaphore, #tpu.memory_space<semaphore_mem>>) src(%dma_wait3A_521 : memref<832x32xf32, #tpu.memory_space<vmem>>) dst(%dma_wait3A_517 : memref<832x32xf32, #tpu.memory_space<hbm>>)
    %dma_start3A_522 = arith.constant 2 : i32
    %dma_start3A_523 = arith.constant 2 : i32
    %dma_start3A_524 = arith.constant 0 : i32
    %dma_start3A_525 = arith.constant 0 : i32
    %dma_start3A_526 = tpu.memref_slice %arg6[%dma_start3A_522, %dma_start3A_524, %dma_start3A_525] : memref<4x832x32xf32, #tpu.memory_space<vmem>> -> memref<1x832x32xf32, #tpu.memory_space<vmem>>
    %dma_start3A_527 = tpu.memref_squeeze %dma_start3A_526 : memref<1x832x32xf32, #tpu.memory_space<vmem>> -> memref<832x32xf32, #tpu.memory_space<vmem>>
    %dma_start3A_528 = arith.constant 8320 : i32
    %dma_start3A_529 = tpu.memref_slice %arg5[%dma_start3A_528] : memref<13312xi32, #tpu.memory_space<vmem>> -> memref<832xi32, #tpu.memory_space<vmem>>
    %dma_start3A_530 = arith.constant 0 : i32
    %dma_start3A_531 = arith.constant 0 : i32
    %dma_start3A_532 = tpu.memref_slice %arg3[%dma_start3A_530, %dma_start3A_531] : memref<1000000x32xf32, #tpu.memory_space<hbm>> -> memref<1000000x32xf32, #tpu.memory_space<hbm>>
    %dma_start3A_533 = tpu.memref_slice %arg7[%dma_start3A_523] : memref<4x!tpu.dma_semaphore, #tpu.memory_space<semaphore_mem>> -> memref<1x!tpu.dma_semaphore, #tpu.memory_space<semaphore_mem>>
    %dma_start3A_534 = tpu.memref_squeeze %dma_start3A_533 : memref<1x!tpu.dma_semaphore, #tpu.memory_space<semaphore_mem>> -> memref<!tpu.dma_semaphore, #tpu.memory_space<semaphore_mem>>
    tpu.enqueue_indirect_dma source(%dma_start3A_532 : memref<1000000x32xf32, #tpu.memory_space<hbm>>) target(%dma_start3A_527 : memref<832x32xf32, #tpu.memory_space<vmem>>) offsets(%dma_start3A_529 : memref<832xi32, #tpu.memory_space<vmem>>) semaphore(%dma_start3A_534 : memref<!tpu.dma_semaphore, #tpu.memory_space<semaphore_mem>>)
    %dma_wait3A_535 = arith.constant 1 : i32
    %dma_wait3A_536 = arith.constant 1 : i32
    %dma_wait3A_537 = arith.constant 0 : i32
    %dma_wait3A_538 = arith.constant 0 : i32
    %dma_wait3A_539 = tpu.memref_slice %arg6[%dma_wait3A_535, %dma_wait3A_537, %dma_wait3A_538] : memref<4x832x32xf32, #tpu.memory_space<vmem>> -> memref<1x832x32xf32, #tpu.memory_space<vmem>>
    %dma_wait3A_540 = tpu.memref_squeeze %dma_wait3A_539 : memref<1x832x32xf32, #tpu.memory_space<vmem>> -> memref<832x32xf32, #tpu.memory_space<vmem>>
    %dma_wait3A_541 = arith.constant 7488 : i32
    %dma_wait3A_542 = tpu.memref_slice %arg5[%dma_wait3A_541] : memref<13312xi32, #tpu.memory_space<vmem>> -> memref<832xi32, #tpu.memory_space<vmem>>
    %dma_wait3A_543 = arith.constant 0 : i32
    %dma_wait3A_544 = arith.constant 0 : i32
    %dma_wait3A_545 = tpu.memref_slice %arg3[%dma_wait3A_543, %dma_wait3A_544] : memref<1000000x32xf32, #tpu.memory_space<hbm>> -> memref<1000000x32xf32, #tpu.memory_space<hbm>>
    %dma_wait3A_546 = tpu.memref_slice %arg7[%dma_wait3A_536] : memref<4x!tpu.dma_semaphore, #tpu.memory_space<semaphore_mem>> -> memref<1x!tpu.dma_semaphore, #tpu.memory_space<semaphore_mem>>
    %dma_wait3A_547 = tpu.memref_squeeze %dma_wait3A_546 : memref<1x!tpu.dma_semaphore, #tpu.memory_space<semaphore_mem>> -> memref<!tpu.dma_semaphore, #tpu.memory_space<semaphore_mem>>
    tpu.wait_indirect_dma semaphore(%dma_wait3A_547 : memref<!tpu.dma_semaphore, #tpu.memory_space<semaphore_mem>>) src(%dma_wait3A_545 : memref<1000000x32xf32, #tpu.memory_space<hbm>>) dst(%dma_wait3A_540 : memref<832x32xf32, #tpu.memory_space<vmem>>)
    %add3A_548 = arith.constant 7488 : i32
    %add3A_549 = arith.addi %mul3A_2, %add3A_548 : i32
    %dma_start3A_550 = arith.constant 1 : i32
    %dma_start3A_551 = arith.constant 1 : i32
    %dma_start3A_552 = arith.constant 0 : i32
    %dma_start3A_553 = arith.constant 0 : i32
    %dma_start3A_554 = tpu.memref_slice %arg6[%dma_start3A_550, %dma_start3A_552, %dma_start3A_553] : memref<4x832x32xf32, #tpu.memory_space<vmem>> -> memref<1x832x32xf32, #tpu.memory_space<vmem>>
    %dma_start3A_555 = tpu.memref_squeeze %dma_start3A_554 : memref<1x832x32xf32, #tpu.memory_space<vmem>> -> memref<832x32xf32, #tpu.memory_space<vmem>>
    %dma_start3A_556 = arith.constant 0 : i32
    %dma_start3A_557 = tpu.memref_slice %arg4[%add3A_549, %dma_start3A_556] : memref<425984x32xf32, #tpu.memory_space<hbm>> -> memref<832x32xf32, #tpu.memory_space<hbm>>
    %dma_start3A_558 = tpu.memref_slice %arg8[%dma_start3A_551] : memref<4x!tpu.dma_semaphore, #tpu.memory_space<semaphore_mem>> -> memref<1x!tpu.dma_semaphore, #tpu.memory_space<semaphore_mem>>
    %dma_start3A_559 = tpu.memref_squeeze %dma_start3A_558 : memref<1x!tpu.dma_semaphore, #tpu.memory_space<semaphore_mem>> -> memref<!tpu.dma_semaphore, #tpu.memory_space<semaphore_mem>>
    %dma_start3A_560 = arith.constant 0 : i32
    %dma_start3A_561 = tpu.memref_slice %arg4[%add3A_549, %dma_start3A_560] : memref<425984x32xf32, #tpu.memory_space<hbm>> -> memref<832x32xf32, #tpu.memory_space<hbm>>
    %dma_start3A_562 = arith.constant 0 : i32
    %dma_start3A_563 = arith.constant 0 : i32
    %dma_start3A_564 = tpu.memref_slice %arg6[%dma_start3A_550, %dma_start3A_562, %dma_start3A_563] : memref<4x832x32xf32, #tpu.memory_space<vmem>> -> memref<1x832x32xf32, #tpu.memory_space<vmem>>
    %dma_start3A_565 = tpu.memref_squeeze %dma_start3A_564 : memref<1x832x32xf32, #tpu.memory_space<vmem>> -> memref<832x32xf32, #tpu.memory_space<vmem>>
    tpu.enqueue_dma source(%dma_start3A_565 : memref<832x32xf32, #tpu.memory_space<vmem>>) target(%dma_start3A_561 : memref<832x32xf32, #tpu.memory_space<hbm>>) target_semaphore(%dma_start3A_559 : memref<!tpu.dma_semaphore, #tpu.memory_space<semaphore_mem>>)
    %dma_wait3A_566 = arith.constant 3 : i32
    %dma_wait3A_567 = arith.constant 3 : i32
    %dma_wait3A_568 = arith.constant 0 : i32
    %dma_wait3A_569 = arith.constant 0 : i32
    %dma_wait3A_570 = tpu.memref_slice %arg6[%dma_wait3A_566, %dma_wait3A_568, %dma_wait3A_569] : memref<4x832x32xf32, #tpu.memory_space<vmem>> -> memref<1x832x32xf32, #tpu.memory_space<vmem>>
    %dma_wait3A_571 = tpu.memref_squeeze %dma_wait3A_570 : memref<1x832x32xf32, #tpu.memory_space<vmem>> -> memref<832x32xf32, #tpu.memory_space<vmem>>
    %dma_wait3A_572 = arith.constant 0 : i32
    %dma_wait3A_573 = tpu.memref_slice %arg4[%add3A_429, %dma_wait3A_572] : memref<425984x32xf32, #tpu.memory_space<hbm>> -> memref<832x32xf32, #tpu.memory_space<hbm>>
    %dma_wait3A_574 = tpu.memref_slice %arg8[%dma_wait3A_567] : memref<4x!tpu.dma_semaphore, #tpu.memory_space<semaphore_mem>> -> memref<1x!tpu.dma_semaphore, #tpu.memory_space<semaphore_mem>>
    %dma_wait3A_575 = tpu.memref_squeeze %dma_wait3A_574 : memref<1x!tpu.dma_semaphore, #tpu.memory_space<semaphore_mem>> -> memref<!tpu.dma_semaphore, #tpu.memory_space<semaphore_mem>>
    %dma_wait3A_576 = arith.constant 0 : i32
    %dma_wait3A_577 = tpu.memref_slice %arg4[%add3A_429, %dma_wait3A_576] : memref<425984x32xf32, #tpu.memory_space<hbm>> -> memref<832x32xf32, #tpu.memory_space<hbm>>
    %dma_wait3A_578 = arith.constant 0 : i32
    %dma_wait3A_579 = arith.constant 0 : i32
    %dma_wait3A_580 = tpu.memref_slice %arg6[%dma_wait3A_566, %dma_wait3A_578, %dma_wait3A_579] : memref<4x832x32xf32, #tpu.memory_space<vmem>> -> memref<1x832x32xf32, #tpu.memory_space<vmem>>
    %dma_wait3A_581 = tpu.memref_squeeze %dma_wait3A_580 : memref<1x832x32xf32, #tpu.memory_space<vmem>> -> memref<832x32xf32, #tpu.memory_space<vmem>>
    tpu.wait_dma2 semaphore(%dma_wait3A_575 : memref<!tpu.dma_semaphore, #tpu.memory_space<semaphore_mem>>) src(%dma_wait3A_581 : memref<832x32xf32, #tpu.memory_space<vmem>>) dst(%dma_wait3A_577 : memref<832x32xf32, #tpu.memory_space<hbm>>)
    %dma_start3A_582 = arith.constant 3 : i32
    %dma_start3A_583 = arith.constant 3 : i32
    %dma_start3A_584 = arith.constant 0 : i32
    %dma_start3A_585 = arith.constant 0 : i32
    %dma_start3A_586 = tpu.memref_slice %arg6[%dma_start3A_582, %dma_start3A_584, %dma_start3A_585] : memref<4x832x32xf32, #tpu.memory_space<vmem>> -> memref<1x832x32xf32, #tpu.memory_space<vmem>>
    %dma_start3A_587 = tpu.memref_squeeze %dma_start3A_586 : memref<1x832x32xf32, #tpu.memory_space<vmem>> -> memref<832x32xf32, #tpu.memory_space<vmem>>
    %dma_start3A_588 = arith.constant 9152 : i32
    %dma_start3A_589 = tpu.memref_slice %arg5[%dma_start3A_588] : memref<13312xi32, #tpu.memory_space<vmem>> -> memref<832xi32, #tpu.memory_space<vmem>>
    %dma_start3A_590 = arith.constant 0 : i32
    %dma_start3A_591 = arith.constant 0 : i32
    %dma_start3A_592 = tpu.memref_slice %arg3[%dma_start3A_590, %dma_start3A_591] : memref<1000000x32xf32, #tpu.memory_space<hbm>> -> memref<1000000x32xf32, #tpu.memory_space<hbm>>
    %dma_start3A_593 = tpu.memref_slice %arg7[%dma_start3A_583] : memref<4x!tpu.dma_semaphore, #tpu.memory_space<semaphore_mem>> -> memref<1x!tpu.dma_semaphore, #tpu.memory_space<semaphore_mem>>
    %dma_start3A_594 = tpu.memref_squeeze %dma_start3A_593 : memref<1x!tpu.dma_semaphore, #tpu.memory_space<semaphore_mem>> -> memref<!tpu.dma_semaphore, #tpu.memory_space<semaphore_mem>>
    tpu.enqueue_indirect_dma source(%dma_start3A_592 : memref<1000000x32xf32, #tpu.memory_space<hbm>>) target(%dma_start3A_587 : memref<832x32xf32, #tpu.memory_space<vmem>>) offsets(%dma_start3A_589 : memref<832xi32, #tpu.memory_space<vmem>>) semaphore(%dma_start3A_594 : memref<!tpu.dma_semaphore, #tpu.memory_space<semaphore_mem>>)
    %dma_wait3A_595 = arith.constant 2 : i32
    %dma_wait3A_596 = arith.constant 2 : i32
    %dma_wait3A_597 = arith.constant 0 : i32
    %dma_wait3A_598 = arith.constant 0 : i32
    %dma_wait3A_599 = tpu.memref_slice %arg6[%dma_wait3A_595, %dma_wait3A_597, %dma_wait3A_598] : memref<4x832x32xf32, #tpu.memory_space<vmem>> -> memref<1x832x32xf32, #tpu.memory_space<vmem>>
    %dma_wait3A_600 = tpu.memref_squeeze %dma_wait3A_599 : memref<1x832x32xf32, #tpu.memory_space<vmem>> -> memref<832x32xf32, #tpu.memory_space<vmem>>
    %dma_wait3A_601 = arith.constant 8320 : i32
    %dma_wait3A_602 = tpu.memref_slice %arg5[%dma_wait3A_601] : memref<13312xi32, #tpu.memory_space<vmem>> -> memref<832xi32, #tpu.memory_space<vmem>>
    %dma_wait3A_603 = arith.constant 0 : i32
    %dma_wait3A_604 = arith.constant 0 : i32
    %dma_wait3A_605 = tpu.memref_slice %arg3[%dma_wait3A_603, %dma_wait3A_604] : memref<1000000x32xf32, #tpu.memory_space<hbm>> -> memref<1000000x32xf32, #tpu.memory_space<hbm>>
    %dma_wait3A_606 = tpu.memref_slice %arg7[%dma_wait3A_596] : memref<4x!tpu.dma_semaphore, #tpu.memory_space<semaphore_mem>> -> memref<1x!tpu.dma_semaphore, #tpu.memory_space<semaphore_mem>>
    %dma_wait3A_607 = tpu.memref_squeeze %dma_wait3A_606 : memref<1x!tpu.dma_semaphore, #tpu.memory_space<semaphore_mem>> -> memref<!tpu.dma_semaphore, #tpu.memory_space<semaphore_mem>>
    tpu.wait_indirect_dma semaphore(%dma_wait3A_607 : memref<!tpu.dma_semaphore, #tpu.memory_space<semaphore_mem>>) src(%dma_wait3A_605 : memref<1000000x32xf32, #tpu.memory_space<hbm>>) dst(%dma_wait3A_600 : memref<832x32xf32, #tpu.memory_space<vmem>>)
    %add3A_608 = arith.constant 8320 : i32
    %add3A_609 = arith.addi %mul3A_2, %add3A_608 : i32
    %dma_start3A_610 = arith.constant 2 : i32
    %dma_start3A_611 = arith.constant 2 : i32
    %dma_start3A_612 = arith.constant 0 : i32
    %dma_start3A_613 = arith.constant 0 : i32
    %dma_start3A_614 = tpu.memref_slice %arg6[%dma_start3A_610, %dma_start3A_612, %dma_start3A_613] : memref<4x832x32xf32, #tpu.memory_space<vmem>> -> memref<1x832x32xf32, #tpu.memory_space<vmem>>
    %dma_start3A_615 = tpu.memref_squeeze %dma_start3A_614 : memref<1x832x32xf32, #tpu.memory_space<vmem>> -> memref<832x32xf32, #tpu.memory_space<vmem>>
    %dma_start3A_616 = arith.constant 0 : i32
    %dma_start3A_617 = tpu.memref_slice %arg4[%add3A_609, %dma_start3A_616] : memref<425984x32xf32, #tpu.memory_space<hbm>> -> memref<832x32xf32, #tpu.memory_space<hbm>>
    %dma_start3A_618 = tpu.memref_slice %arg8[%dma_start3A_611] : memref<4x!tpu.dma_semaphore, #tpu.memory_space<semaphore_mem>> -> memref<1x!tpu.dma_semaphore, #tpu.memory_space<semaphore_mem>>
    %dma_start3A_619 = tpu.memref_squeeze %dma_start3A_618 : memref<1x!tpu.dma_semaphore, #tpu.memory_space<semaphore_mem>> -> memref<!tpu.dma_semaphore, #tpu.memory_space<semaphore_mem>>
    %dma_start3A_620 = arith.constant 0 : i32
    %dma_start3A_621 = tpu.memref_slice %arg4[%add3A_609, %dma_start3A_620] : memref<425984x32xf32, #tpu.memory_space<hbm>> -> memref<832x32xf32, #tpu.memory_space<hbm>>
    %dma_start3A_622 = arith.constant 0 : i32
    %dma_start3A_623 = arith.constant 0 : i32
    %dma_start3A_624 = tpu.memref_slice %arg6[%dma_start3A_610, %dma_start3A_622, %dma_start3A_623] : memref<4x832x32xf32, #tpu.memory_space<vmem>> -> memref<1x832x32xf32, #tpu.memory_space<vmem>>
    %dma_start3A_625 = tpu.memref_squeeze %dma_start3A_624 : memref<1x832x32xf32, #tpu.memory_space<vmem>> -> memref<832x32xf32, #tpu.memory_space<vmem>>
    tpu.enqueue_dma source(%dma_start3A_625 : memref<832x32xf32, #tpu.memory_space<vmem>>) target(%dma_start3A_621 : memref<832x32xf32, #tpu.memory_space<hbm>>) target_semaphore(%dma_start3A_619 : memref<!tpu.dma_semaphore, #tpu.memory_space<semaphore_mem>>)
    %dma_wait3A_626 = arith.constant 0 : i32
    %dma_wait3A_627 = arith.constant 0 : i32
    %dma_wait3A_628 = arith.constant 0 : i32
    %dma_wait3A_629 = arith.constant 0 : i32
    %dma_wait3A_630 = tpu.memref_slice %arg6[%dma_wait3A_626, %dma_wait3A_628, %dma_wait3A_629] : memref<4x832x32xf32, #tpu.memory_space<vmem>> -> memref<1x832x32xf32, #tpu.memory_space<vmem>>
    %dma_wait3A_631 = tpu.memref_squeeze %dma_wait3A_630 : memref<1x832x32xf32, #tpu.memory_space<vmem>> -> memref<832x32xf32, #tpu.memory_space<vmem>>
    %dma_wait3A_632 = arith.constant 0 : i32
    %dma_wait3A_633 = tpu.memref_slice %arg4[%add3A_489, %dma_wait3A_632] : memref<425984x32xf32, #tpu.memory_space<hbm>> -> memref<832x32xf32, #tpu.memory_space<hbm>>
    %dma_wait3A_634 = tpu.memref_slice %arg8[%dma_wait3A_627] : memref<4x!tpu.dma_semaphore, #tpu.memory_space<semaphore_mem>> -> memref<1x!tpu.dma_semaphore, #tpu.memory_space<semaphore_mem>>
    %dma_wait3A_635 = tpu.memref_squeeze %dma_wait3A_634 : memref<1x!tpu.dma_semaphore, #tpu.memory_space<semaphore_mem>> -> memref<!tpu.dma_semaphore, #tpu.memory_space<semaphore_mem>>
    %dma_wait3A_636 = arith.constant 0 : i32
    %dma_wait3A_637 = tpu.memref_slice %arg4[%add3A_489, %dma_wait3A_636] : memref<425984x32xf32, #tpu.memory_space<hbm>> -> memref<832x32xf32, #tpu.memory_space<hbm>>
    %dma_wait3A_638 = arith.constant 0 : i32
    %dma_wait3A_639 = arith.constant 0 : i32
    %dma_wait3A_640 = tpu.memref_slice %arg6[%dma_wait3A_626, %dma_wait3A_638, %dma_wait3A_639] : memref<4x832x32xf32, #tpu.memory_space<vmem>> -> memref<1x832x32xf32, #tpu.memory_space<vmem>>
    %dma_wait3A_641 = tpu.memref_squeeze %dma_wait3A_640 : memref<1x832x32xf32, #tpu.memory_space<vmem>> -> memref<832x32xf32, #tpu.memory_space<vmem>>
    tpu.wait_dma2 semaphore(%dma_wait3A_635 : memref<!tpu.dma_semaphore, #tpu.memory_space<semaphore_mem>>) src(%dma_wait3A_641 : memref<832x32xf32, #tpu.memory_space<vmem>>) dst(%dma_wait3A_637 : memref<832x32xf32, #tpu.memory_space<hbm>>)
    %dma_start3A_642 = arith.constant 0 : i32
    %dma_start3A_643 = arith.constant 0 : i32
    %dma_start3A_644 = arith.constant 0 : i32
    %dma_start3A_645 = arith.constant 0 : i32
    %dma_start3A_646 = tpu.memref_slice %arg6[%dma_start3A_642, %dma_start3A_644, %dma_start3A_645] : memref<4x832x32xf32, #tpu.memory_space<vmem>> -> memref<1x832x32xf32, #tpu.memory_space<vmem>>
    %dma_start3A_647 = tpu.memref_squeeze %dma_start3A_646 : memref<1x832x32xf32, #tpu.memory_space<vmem>> -> memref<832x32xf32, #tpu.memory_space<vmem>>
    %dma_start3A_648 = arith.constant 9984 : i32
    %dma_start3A_649 = tpu.memref_slice %arg5[%dma_start3A_648] : memref<13312xi32, #tpu.memory_space<vmem>> -> memref<832xi32, #tpu.memory_space<vmem>>
    %dma_start3A_650 = arith.constant 0 : i32
    %dma_start3A_651 = arith.constant 0 : i32
    %dma_start3A_652 = tpu.memref_slice %arg3[%dma_start3A_650, %dma_start3A_651] : memref<1000000x32xf32, #tpu.memory_space<hbm>> -> memref<1000000x32xf32, #tpu.memory_space<hbm>>
    %dma_start3A_653 = tpu.memref_slice %arg7[%dma_start3A_643] : memref<4x!tpu.dma_semaphore, #tpu.memory_space<semaphore_mem>> -> memref<1x!tpu.dma_semaphore, #tpu.memory_space<semaphore_mem>>
    %dma_start3A_654 = tpu.memref_squeeze %dma_start3A_653 : memref<1x!tpu.dma_semaphore, #tpu.memory_space<semaphore_mem>> -> memref<!tpu.dma_semaphore, #tpu.memory_space<semaphore_mem>>
    tpu.enqueue_indirect_dma source(%dma_start3A_652 : memref<1000000x32xf32, #tpu.memory_space<hbm>>) target(%dma_start3A_647 : memref<832x32xf32, #tpu.memory_space<vmem>>) offsets(%dma_start3A_649 : memref<832xi32, #tpu.memory_space<vmem>>) semaphore(%dma_start3A_654 : memref<!tpu.dma_semaphore, #tpu.memory_space<semaphore_mem>>)
    %dma_wait3A_655 = arith.constant 3 : i32
    %dma_wait3A_656 = arith.constant 3 : i32
    %dma_wait3A_657 = arith.constant 0 : i32
    %dma_wait3A_658 = arith.constant 0 : i32
    %dma_wait3A_659 = tpu.memref_slice %arg6[%dma_wait3A_655, %dma_wait3A_657, %dma_wait3A_658] : memref<4x832x32xf32, #tpu.memory_space<vmem>> -> memref<1x832x32xf32, #tpu.memory_space<vmem>>
    %dma_wait3A_660 = tpu.memref_squeeze %dma_wait3A_659 : memref<1x832x32xf32, #tpu.memory_space<vmem>> -> memref<832x32xf32, #tpu.memory_space<vmem>>
    %dma_wait3A_661 = arith.constant 9152 : i32
    %dma_wait3A_662 = tpu.memref_slice %arg5[%dma_wait3A_661] : memref<13312xi32, #tpu.memory_space<vmem>> -> memref<832xi32, #tpu.memory_space<vmem>>
    %dma_wait3A_663 = arith.constant 0 : i32
    %dma_wait3A_664 = arith.constant 0 : i32
    %dma_wait3A_665 = tpu.memref_slice %arg3[%dma_wait3A_663, %dma_wait3A_664] : memref<1000000x32xf32, #tpu.memory_space<hbm>> -> memref<1000000x32xf32, #tpu.memory_space<hbm>>
    %dma_wait3A_666 = tpu.memref_slice %arg7[%dma_wait3A_656] : memref<4x!tpu.dma_semaphore, #tpu.memory_space<semaphore_mem>> -> memref<1x!tpu.dma_semaphore, #tpu.memory_space<semaphore_mem>>
    %dma_wait3A_667 = tpu.memref_squeeze %dma_wait3A_666 : memref<1x!tpu.dma_semaphore, #tpu.memory_space<semaphore_mem>> -> memref<!tpu.dma_semaphore, #tpu.memory_space<semaphore_mem>>
    tpu.wait_indirect_dma semaphore(%dma_wait3A_667 : memref<!tpu.dma_semaphore, #tpu.memory_space<semaphore_mem>>) src(%dma_wait3A_665 : memref<1000000x32xf32, #tpu.memory_space<hbm>>) dst(%dma_wait3A_660 : memref<832x32xf32, #tpu.memory_space<vmem>>)
    %add3A_668 = arith.constant 9152 : i32
    %add3A_669 = arith.addi %mul3A_2, %add3A_668 : i32
    %dma_start3A_670 = arith.constant 3 : i32
    %dma_start3A_671 = arith.constant 3 : i32
    %dma_start3A_672 = arith.constant 0 : i32
    %dma_start3A_673 = arith.constant 0 : i32
    %dma_start3A_674 = tpu.memref_slice %arg6[%dma_start3A_670, %dma_start3A_672, %dma_start3A_673] : memref<4x832x32xf32, #tpu.memory_space<vmem>> -> memref<1x832x32xf32, #tpu.memory_space<vmem>>
    %dma_start3A_675 = tpu.memref_squeeze %dma_start3A_674 : memref<1x832x32xf32, #tpu.memory_space<vmem>> -> memref<832x32xf32, #tpu.memory_space<vmem>>
    %dma_start3A_676 = arith.constant 0 : i32
    %dma_start3A_677 = tpu.memref_slice %arg4[%add3A_669, %dma_start3A_676] : memref<425984x32xf32, #tpu.memory_space<hbm>> -> memref<832x32xf32, #tpu.memory_space<hbm>>
    %dma_start3A_678 = tpu.memref_slice %arg8[%dma_start3A_671] : memref<4x!tpu.dma_semaphore, #tpu.memory_space<semaphore_mem>> -> memref<1x!tpu.dma_semaphore, #tpu.memory_space<semaphore_mem>>
    %dma_start3A_679 = tpu.memref_squeeze %dma_start3A_678 : memref<1x!tpu.dma_semaphore, #tpu.memory_space<semaphore_mem>> -> memref<!tpu.dma_semaphore, #tpu.memory_space<semaphore_mem>>
    %dma_start3A_680 = arith.constant 0 : i32
    %dma_start3A_681 = tpu.memref_slice %arg4[%add3A_669, %dma_start3A_680] : memref<425984x32xf32, #tpu.memory_space<hbm>> -> memref<832x32xf32, #tpu.memory_space<hbm>>
    %dma_start3A_682 = arith.constant 0 : i32
    %dma_start3A_683 = arith.constant 0 : i32
    %dma_start3A_684 = tpu.memref_slice %arg6[%dma_start3A_670, %dma_start3A_682, %dma_start3A_683] : memref<4x832x32xf32, #tpu.memory_space<vmem>> -> memref<1x832x32xf32, #tpu.memory_space<vmem>>
    %dma_start3A_685 = tpu.memref_squeeze %dma_start3A_684 : memref<1x832x32xf32, #tpu.memory_space<vmem>> -> memref<832x32xf32, #tpu.memory_space<vmem>>
    tpu.enqueue_dma source(%dma_start3A_685 : memref<832x32xf32, #tpu.memory_space<vmem>>) target(%dma_start3A_681 : memref<832x32xf32, #tpu.memory_space<hbm>>) target_semaphore(%dma_start3A_679 : memref<!tpu.dma_semaphore, #tpu.memory_space<semaphore_mem>>)
    %dma_wait3A_686 = arith.constant 1 : i32
    %dma_wait3A_687 = arith.constant 1 : i32
    %dma_wait3A_688 = arith.constant 0 : i32
    %dma_wait3A_689 = arith.constant 0 : i32
    %dma_wait3A_690 = tpu.memref_slice %arg6[%dma_wait3A_686, %dma_wait3A_688, %dma_wait3A_689] : memref<4x832x32xf32, #tpu.memory_space<vmem>> -> memref<1x832x32xf32, #tpu.memory_space<vmem>>
    %dma_wait3A_691 = tpu.memref_squeeze %dma_wait3A_690 : memref<1x832x32xf32, #tpu.memory_space<vmem>> -> memref<832x32xf32, #tpu.memory_space<vmem>>
    %dma_wait3A_692 = arith.constant 0 : i32
    %dma_wait3A_693 = tpu.memref_slice %arg4[%add3A_549, %dma_wait3A_692] : memref<425984x32xf32, #tpu.memory_space<hbm>> -> memref<832x32xf32, #tpu.memory_space<hbm>>
    %dma_wait3A_694 = tpu.memref_slice %arg8[%dma_wait3A_687] : memref<4x!tpu.dma_semaphore, #tpu.memory_space<semaphore_mem>> -> memref<1x!tpu.dma_semaphore, #tpu.memory_space<semaphore_mem>>
    %dma_wait3A_695 = tpu.memref_squeeze %dma_wait3A_694 : memref<1x!tpu.dma_semaphore, #tpu.memory_space<semaphore_mem>> -> memref<!tpu.dma_semaphore, #tpu.memory_space<semaphore_mem>>
    %dma_wait3A_696 = arith.constant 0 : i32
    %dma_wait3A_697 = tpu.memref_slice %arg4[%add3A_549, %dma_wait3A_696] : memref<425984x32xf32, #tpu.memory_space<hbm>> -> memref<832x32xf32, #tpu.memory_space<hbm>>
    %dma_wait3A_698 = arith.constant 0 : i32
    %dma_wait3A_699 = arith.constant 0 : i32
    %dma_wait3A_700 = tpu.memref_slice %arg6[%dma_wait3A_686, %dma_wait3A_698, %dma_wait3A_699] : memref<4x832x32xf32, #tpu.memory_space<vmem>> -> memref<1x832x32xf32, #tpu.memory_space<vmem>>
    %dma_wait3A_701 = tpu.memref_squeeze %dma_wait3A_700 : memref<1x832x32xf32, #tpu.memory_space<vmem>> -> memref<832x32xf32, #tpu.memory_space<vmem>>
    tpu.wait_dma2 semaphore(%dma_wait3A_695 : memref<!tpu.dma_semaphore, #tpu.memory_space<semaphore_mem>>) src(%dma_wait3A_701 : memref<832x32xf32, #tpu.memory_space<vmem>>) dst(%dma_wait3A_697 : memref<832x32xf32, #tpu.memory_space<hbm>>)
    %dma_start3A_702 = arith.constant 1 : i32
    %dma_start3A_703 = arith.constant 1 : i32
    %dma_start3A_704 = arith.constant 0 : i32
    %dma_start3A_705 = arith.constant 0 : i32
    %dma_start3A_706 = tpu.memref_slice %arg6[%dma_start3A_702, %dma_start3A_704, %dma_start3A_705] : memref<4x832x32xf32, #tpu.memory_space<vmem>> -> memref<1x832x32xf32, #tpu.memory_space<vmem>>
    %dma_start3A_707 = tpu.memref_squeeze %dma_start3A_706 : memref<1x832x32xf32, #tpu.memory_space<vmem>> -> memref<832x32xf32, #tpu.memory_space<vmem>>
    %dma_start3A_708 = arith.constant 10816 : i32
    %dma_start3A_709 = tpu.memref_slice %arg5[%dma_start3A_708] : memref<13312xi32, #tpu.memory_space<vmem>> -> memref<832xi32, #tpu.memory_space<vmem>>
    %dma_start3A_710 = arith.constant 0 : i32
    %dma_start3A_711 = arith.constant 0 : i32
    %dma_start3A_712 = tpu.memref_slice %arg3[%dma_start3A_710, %dma_start3A_711] : memref<1000000x32xf32, #tpu.memory_space<hbm>> -> memref<1000000x32xf32, #tpu.memory_space<hbm>>
    %dma_start3A_713 = tpu.memref_slice %arg7[%dma_start3A_703] : memref<4x!tpu.dma_semaphore, #tpu.memory_space<semaphore_mem>> -> memref<1x!tpu.dma_semaphore, #tpu.memory_space<semaphore_mem>>
    %dma_start3A_714 = tpu.memref_squeeze %dma_start3A_713 : memref<1x!tpu.dma_semaphore, #tpu.memory_space<semaphore_mem>> -> memref<!tpu.dma_semaphore, #tpu.memory_space<semaphore_mem>>
    tpu.enqueue_indirect_dma source(%dma_start3A_712 : memref<1000000x32xf32, #tpu.memory_space<hbm>>) target(%dma_start3A_707 : memref<832x32xf32, #tpu.memory_space<vmem>>) offsets(%dma_start3A_709 : memref<832xi32, #tpu.memory_space<vmem>>) semaphore(%dma_start3A_714 : memref<!tpu.dma_semaphore, #tpu.memory_space<semaphore_mem>>)
    %dma_wait3A_715 = arith.constant 0 : i32
    %dma_wait3A_716 = arith.constant 0 : i32
    %dma_wait3A_717 = arith.constant 0 : i32
    %dma_wait3A_718 = arith.constant 0 : i32
    %dma_wait3A_719 = tpu.memref_slice %arg6[%dma_wait3A_715, %dma_wait3A_717, %dma_wait3A_718] : memref<4x832x32xf32, #tpu.memory_space<vmem>> -> memref<1x832x32xf32, #tpu.memory_space<vmem>>
    %dma_wait3A_720 = tpu.memref_squeeze %dma_wait3A_719 : memref<1x832x32xf32, #tpu.memory_space<vmem>> -> memref<832x32xf32, #tpu.memory_space<vmem>>
    %dma_wait3A_721 = arith.constant 9984 : i32
    %dma_wait3A_722 = tpu.memref_slice %arg5[%dma_wait3A_721] : memref<13312xi32, #tpu.memory_space<vmem>> -> memref<832xi32, #tpu.memory_space<vmem>>
    %dma_wait3A_723 = arith.constant 0 : i32
    %dma_wait3A_724 = arith.constant 0 : i32
    %dma_wait3A_725 = tpu.memref_slice %arg3[%dma_wait3A_723, %dma_wait3A_724] : memref<1000000x32xf32, #tpu.memory_space<hbm>> -> memref<1000000x32xf32, #tpu.memory_space<hbm>>
    %dma_wait3A_726 = tpu.memref_slice %arg7[%dma_wait3A_716] : memref<4x!tpu.dma_semaphore, #tpu.memory_space<semaphore_mem>> -> memref<1x!tpu.dma_semaphore, #tpu.memory_space<semaphore_mem>>
    %dma_wait3A_727 = tpu.memref_squeeze %dma_wait3A_726 : memref<1x!tpu.dma_semaphore, #tpu.memory_space<semaphore_mem>> -> memref<!tpu.dma_semaphore, #tpu.memory_space<semaphore_mem>>
    tpu.wait_indirect_dma semaphore(%dma_wait3A_727 : memref<!tpu.dma_semaphore, #tpu.memory_space<semaphore_mem>>) src(%dma_wait3A_725 : memref<1000000x32xf32, #tpu.memory_space<hbm>>) dst(%dma_wait3A_720 : memref<832x32xf32, #tpu.memory_space<vmem>>)
    %add3A_728 = arith.constant 9984 : i32
    %add3A_729 = arith.addi %mul3A_2, %add3A_728 : i32
    %dma_start3A_730 = arith.constant 0 : i32
    %dma_start3A_731 = arith.constant 0 : i32
    %dma_start3A_732 = arith.constant 0 : i32
    %dma_start3A_733 = arith.constant 0 : i32
    %dma_start3A_734 = tpu.memref_slice %arg6[%dma_start3A_730, %dma_start3A_732, %dma_start3A_733] : memref<4x832x32xf32, #tpu.memory_space<vmem>> -> memref<1x832x32xf32, #tpu.memory_space<vmem>>
    %dma_start3A_735 = tpu.memref_squeeze %dma_start3A_734 : memref<1x832x32xf32, #tpu.memory_space<vmem>> -> memref<832x32xf32, #tpu.memory_space<vmem>>
    %dma_start3A_736 = arith.constant 0 : i32
    %dma_start3A_737 = tpu.memref_slice %arg4[%add3A_729, %dma_start3A_736] : memref<425984x32xf32, #tpu.memory_space<hbm>> -> memref<832x32xf32, #tpu.memory_space<hbm>>
    %dma_start3A_738 = tpu.memref_slice %arg8[%dma_start3A_731] : memref<4x!tpu.dma_semaphore, #tpu.memory_space<semaphore_mem>> -> memref<1x!tpu.dma_semaphore, #tpu.memory_space<semaphore_mem>>
    %dma_start3A_739 = tpu.memref_squeeze %dma_start3A_738 : memref<1x!tpu.dma_semaphore, #tpu.memory_space<semaphore_mem>> -> memref<!tpu.dma_semaphore, #tpu.memory_space<semaphore_mem>>
    %dma_start3A_740 = arith.constant 0 : i32
    %dma_start3A_741 = tpu.memref_slice %arg4[%add3A_729, %dma_start3A_740] : memref<425984x32xf32, #tpu.memory_space<hbm>> -> memref<832x32xf32, #tpu.memory_space<hbm>>
    %dma_start3A_742 = arith.constant 0 : i32
    %dma_start3A_743 = arith.constant 0 : i32
    %dma_start3A_744 = tpu.memref_slice %arg6[%dma_start3A_730, %dma_start3A_742, %dma_start3A_743] : memref<4x832x32xf32, #tpu.memory_space<vmem>> -> memref<1x832x32xf32, #tpu.memory_space<vmem>>
    %dma_start3A_745 = tpu.memref_squeeze %dma_start3A_744 : memref<1x832x32xf32, #tpu.memory_space<vmem>> -> memref<832x32xf32, #tpu.memory_space<vmem>>
    tpu.enqueue_dma source(%dma_start3A_745 : memref<832x32xf32, #tpu.memory_space<vmem>>) target(%dma_start3A_741 : memref<832x32xf32, #tpu.memory_space<hbm>>) target_semaphore(%dma_start3A_739 : memref<!tpu.dma_semaphore, #tpu.memory_space<semaphore_mem>>)
    %dma_wait3A_746 = arith.constant 2 : i32
    %dma_wait3A_747 = arith.constant 2 : i32
    %dma_wait3A_748 = arith.constant 0 : i32
    %dma_wait3A_749 = arith.constant 0 : i32
    %dma_wait3A_750 = tpu.memref_slice %arg6[%dma_wait3A_746, %dma_wait3A_748, %dma_wait3A_749] : memref<4x832x32xf32, #tpu.memory_space<vmem>> -> memref<1x832x32xf32, #tpu.memory_space<vmem>>
    %dma_wait3A_751 = tpu.memref_squeeze %dma_wait3A_750 : memref<1x832x32xf32, #tpu.memory_space<vmem>> -> memref<832x32xf32, #tpu.memory_space<vmem>>
    %dma_wait3A_752 = arith.constant 0 : i32
    %dma_wait3A_753 = tpu.memref_slice %arg4[%add3A_609, %dma_wait3A_752] : memref<425984x32xf32, #tpu.memory_space<hbm>> -> memref<832x32xf32, #tpu.memory_space<hbm>>
    %dma_wait3A_754 = tpu.memref_slice %arg8[%dma_wait3A_747] : memref<4x!tpu.dma_semaphore, #tpu.memory_space<semaphore_mem>> -> memref<1x!tpu.dma_semaphore, #tpu.memory_space<semaphore_mem>>
    %dma_wait3A_755 = tpu.memref_squeeze %dma_wait3A_754 : memref<1x!tpu.dma_semaphore, #tpu.memory_space<semaphore_mem>> -> memref<!tpu.dma_semaphore, #tpu.memory_space<semaphore_mem>>
    %dma_wait3A_756 = arith.constant 0 : i32
    %dma_wait3A_757 = tpu.memref_slice %arg4[%add3A_609, %dma_wait3A_756] : memref<425984x32xf32, #tpu.memory_space<hbm>> -> memref<832x32xf32, #tpu.memory_space<hbm>>
    %dma_wait3A_758 = arith.constant 0 : i32
    %dma_wait3A_759 = arith.constant 0 : i32
    %dma_wait3A_760 = tpu.memref_slice %arg6[%dma_wait3A_746, %dma_wait3A_758, %dma_wait3A_759] : memref<4x832x32xf32, #tpu.memory_space<vmem>> -> memref<1x832x32xf32, #tpu.memory_space<vmem>>
    %dma_wait3A_761 = tpu.memref_squeeze %dma_wait3A_760 : memref<1x832x32xf32, #tpu.memory_space<vmem>> -> memref<832x32xf32, #tpu.memory_space<vmem>>
    tpu.wait_dma2 semaphore(%dma_wait3A_755 : memref<!tpu.dma_semaphore, #tpu.memory_space<semaphore_mem>>) src(%dma_wait3A_761 : memref<832x32xf32, #tpu.memory_space<vmem>>) dst(%dma_wait3A_757 : memref<832x32xf32, #tpu.memory_space<hbm>>)
    %dma_start3A_762 = arith.constant 2 : i32
    %dma_start3A_763 = arith.constant 2 : i32
    %dma_start3A_764 = arith.constant 0 : i32
    %dma_start3A_765 = arith.constant 0 : i32
    %dma_start3A_766 = tpu.memref_slice %arg6[%dma_start3A_762, %dma_start3A_764, %dma_start3A_765] : memref<4x832x32xf32, #tpu.memory_space<vmem>> -> memref<1x832x32xf32, #tpu.memory_space<vmem>>
    %dma_start3A_767 = tpu.memref_squeeze %dma_start3A_766 : memref<1x832x32xf32, #tpu.memory_space<vmem>> -> memref<832x32xf32, #tpu.memory_space<vmem>>
    %dma_start3A_768 = arith.constant 11648 : i32
    %dma_start3A_769 = tpu.memref_slice %arg5[%dma_start3A_768] : memref<13312xi32, #tpu.memory_space<vmem>> -> memref<832xi32, #tpu.memory_space<vmem>>
    %dma_start3A_770 = arith.constant 0 : i32
    %dma_start3A_771 = arith.constant 0 : i32
    %dma_start3A_772 = tpu.memref_slice %arg3[%dma_start3A_770, %dma_start3A_771] : memref<1000000x32xf32, #tpu.memory_space<hbm>> -> memref<1000000x32xf32, #tpu.memory_space<hbm>>
    %dma_start3A_773 = tpu.memref_slice %arg7[%dma_start3A_763] : memref<4x!tpu.dma_semaphore, #tpu.memory_space<semaphore_mem>> -> memref<1x!tpu.dma_semaphore, #tpu.memory_space<semaphore_mem>>
    %dma_start3A_774 = tpu.memref_squeeze %dma_start3A_773 : memref<1x!tpu.dma_semaphore, #tpu.memory_space<semaphore_mem>> -> memref<!tpu.dma_semaphore, #tpu.memory_space<semaphore_mem>>
    tpu.enqueue_indirect_dma source(%dma_start3A_772 : memref<1000000x32xf32, #tpu.memory_space<hbm>>) target(%dma_start3A_767 : memref<832x32xf32, #tpu.memory_space<vmem>>) offsets(%dma_start3A_769 : memref<832xi32, #tpu.memory_space<vmem>>) semaphore(%dma_start3A_774 : memref<!tpu.dma_semaphore, #tpu.memory_space<semaphore_mem>>)
    %dma_wait3A_775 = arith.constant 1 : i32
    %dma_wait3A_776 = arith.constant 1 : i32
    %dma_wait3A_777 = arith.constant 0 : i32
    %dma_wait3A_778 = arith.constant 0 : i32
    %dma_wait3A_779 = tpu.memref_slice %arg6[%dma_wait3A_775, %dma_wait3A_777, %dma_wait3A_778] : memref<4x832x32xf32, #tpu.memory_space<vmem>> -> memref<1x832x32xf32, #tpu.memory_space<vmem>>
    %dma_wait3A_780 = tpu.memref_squeeze %dma_wait3A_779 : memref<1x832x32xf32, #tpu.memory_space<vmem>> -> memref<832x32xf32, #tpu.memory_space<vmem>>
    %dma_wait3A_781 = arith.constant 10816 : i32
    %dma_wait3A_782 = tpu.memref_slice %arg5[%dma_wait3A_781] : memref<13312xi32, #tpu.memory_space<vmem>> -> memref<832xi32, #tpu.memory_space<vmem>>
    %dma_wait3A_783 = arith.constant 0 : i32
    %dma_wait3A_784 = arith.constant 0 : i32
    %dma_wait3A_785 = tpu.memref_slice %arg3[%dma_wait3A_783, %dma_wait3A_784] : memref<1000000x32xf32, #tpu.memory_space<hbm>> -> memref<1000000x32xf32, #tpu.memory_space<hbm>>
    %dma_wait3A_786 = tpu.memref_slice %arg7[%dma_wait3A_776] : memref<4x!tpu.dma_semaphore, #tpu.memory_space<semaphore_mem>> -> memref<1x!tpu.dma_semaphore, #tpu.memory_space<semaphore_mem>>
    %dma_wait3A_787 = tpu.memref_squeeze %dma_wait3A_786 : memref<1x!tpu.dma_semaphore, #tpu.memory_space<semaphore_mem>> -> memref<!tpu.dma_semaphore, #tpu.memory_space<semaphore_mem>>
    tpu.wait_indirect_dma semaphore(%dma_wait3A_787 : memref<!tpu.dma_semaphore, #tpu.memory_space<semaphore_mem>>) src(%dma_wait3A_785 : memref<1000000x32xf32, #tpu.memory_space<hbm>>) dst(%dma_wait3A_780 : memref<832x32xf32, #tpu.memory_space<vmem>>)
    %add3A_788 = arith.constant 10816 : i32
    %add3A_789 = arith.addi %mul3A_2, %add3A_788 : i32
    %dma_start3A_790 = arith.constant 1 : i32
    %dma_start3A_791 = arith.constant 1 : i32
    %dma_start3A_792 = arith.constant 0 : i32
    %dma_start3A_793 = arith.constant 0 : i32
    %dma_start3A_794 = tpu.memref_slice %arg6[%dma_start3A_790, %dma_start3A_792, %dma_start3A_793] : memref<4x832x32xf32, #tpu.memory_space<vmem>> -> memref<1x832x32xf32, #tpu.memory_space<vmem>>
    %dma_start3A_795 = tpu.memref_squeeze %dma_start3A_794 : memref<1x832x32xf32, #tpu.memory_space<vmem>> -> memref<832x32xf32, #tpu.memory_space<vmem>>
    %dma_start3A_796 = arith.constant 0 : i32
    %dma_start3A_797 = tpu.memref_slice %arg4[%add3A_789, %dma_start3A_796] : memref<425984x32xf32, #tpu.memory_space<hbm>> -> memref<832x32xf32, #tpu.memory_space<hbm>>
    %dma_start3A_798 = tpu.memref_slice %arg8[%dma_start3A_791] : memref<4x!tpu.dma_semaphore, #tpu.memory_space<semaphore_mem>> -> memref<1x!tpu.dma_semaphore, #tpu.memory_space<semaphore_mem>>
    %dma_start3A_799 = tpu.memref_squeeze %dma_start3A_798 : memref<1x!tpu.dma_semaphore, #tpu.memory_space<semaphore_mem>> -> memref<!tpu.dma_semaphore, #tpu.memory_space<semaphore_mem>>
    %dma_start3A_800 = arith.constant 0 : i32
    %dma_start3A_801 = tpu.memref_slice %arg4[%add3A_789, %dma_start3A_800] : memref<425984x32xf32, #tpu.memory_space<hbm>> -> memref<832x32xf32, #tpu.memory_space<hbm>>
    %dma_start3A_802 = arith.constant 0 : i32
    %dma_start3A_803 = arith.constant 0 : i32
    %dma_start3A_804 = tpu.memref_slice %arg6[%dma_start3A_790, %dma_start3A_802, %dma_start3A_803] : memref<4x832x32xf32, #tpu.memory_space<vmem>> -> memref<1x832x32xf32, #tpu.memory_space<vmem>>
    %dma_start3A_805 = tpu.memref_squeeze %dma_start3A_804 : memref<1x832x32xf32, #tpu.memory_space<vmem>> -> memref<832x32xf32, #tpu.memory_space<vmem>>
    tpu.enqueue_dma source(%dma_start3A_805 : memref<832x32xf32, #tpu.memory_space<vmem>>) target(%dma_start3A_801 : memref<832x32xf32, #tpu.memory_space<hbm>>) target_semaphore(%dma_start3A_799 : memref<!tpu.dma_semaphore, #tpu.memory_space<semaphore_mem>>)
    %dma_wait3A_806 = arith.constant 3 : i32
    %dma_wait3A_807 = arith.constant 3 : i32
    %dma_wait3A_808 = arith.constant 0 : i32
    %dma_wait3A_809 = arith.constant 0 : i32
    %dma_wait3A_810 = tpu.memref_slice %arg6[%dma_wait3A_806, %dma_wait3A_808, %dma_wait3A_809] : memref<4x832x32xf32, #tpu.memory_space<vmem>> -> memref<1x832x32xf32, #tpu.memory_space<vmem>>
    %dma_wait3A_811 = tpu.memref_squeeze %dma_wait3A_810 : memref<1x832x32xf32, #tpu.memory_space<vmem>> -> memref<832x32xf32, #tpu.memory_space<vmem>>
    %dma_wait3A_812 = arith.constant 0 : i32
    %dma_wait3A_813 = tpu.memref_slice %arg4[%add3A_669, %dma_wait3A_812] : memref<425984x32xf32, #tpu.memory_space<hbm>> -> memref<832x32xf32, #tpu.memory_space<hbm>>
    %dma_wait3A_814 = tpu.memref_slice %arg8[%dma_wait3A_807] : memref<4x!tpu.dma_semaphore, #tpu.memory_space<semaphore_mem>> -> memref<1x!tpu.dma_semaphore, #tpu.memory_space<semaphore_mem>>
    %dma_wait3A_815 = tpu.memref_squeeze %dma_wait3A_814 : memref<1x!tpu.dma_semaphore, #tpu.memory_space<semaphore_mem>> -> memref<!tpu.dma_semaphore, #tpu.memory_space<semaphore_mem>>
    %dma_wait3A_816 = arith.constant 0 : i32
    %dma_wait3A_817 = tpu.memref_slice %arg4[%add3A_669, %dma_wait3A_816] : memref<425984x32xf32, #tpu.memory_space<hbm>> -> memref<832x32xf32, #tpu.memory_space<hbm>>
    %dma_wait3A_818 = arith.constant 0 : i32
    %dma_wait3A_819 = arith.constant 0 : i32
    %dma_wait3A_820 = tpu.memref_slice %arg6[%dma_wait3A_806, %dma_wait3A_818, %dma_wait3A_819] : memref<4x832x32xf32, #tpu.memory_space<vmem>> -> memref<1x832x32xf32, #tpu.memory_space<vmem>>
    %dma_wait3A_821 = tpu.memref_squeeze %dma_wait3A_820 : memref<1x832x32xf32, #tpu.memory_space<vmem>> -> memref<832x32xf32, #tpu.memory_space<vmem>>
    tpu.wait_dma2 semaphore(%dma_wait3A_815 : memref<!tpu.dma_semaphore, #tpu.memory_space<semaphore_mem>>) src(%dma_wait3A_821 : memref<832x32xf32, #tpu.memory_space<vmem>>) dst(%dma_wait3A_817 : memref<832x32xf32, #tpu.memory_space<hbm>>)
    %dma_start3A_822 = arith.constant 3 : i32
    %dma_start3A_823 = arith.constant 3 : i32
    %dma_start3A_824 = arith.constant 0 : i32
    %dma_start3A_825 = arith.constant 0 : i32
    %dma_start3A_826 = tpu.memref_slice %arg6[%dma_start3A_822, %dma_start3A_824, %dma_start3A_825] : memref<4x832x32xf32, #tpu.memory_space<vmem>> -> memref<1x832x32xf32, #tpu.memory_space<vmem>>
    %dma_start3A_827 = tpu.memref_squeeze %dma_start3A_826 : memref<1x832x32xf32, #tpu.memory_space<vmem>> -> memref<832x32xf32, #tpu.memory_space<vmem>>
    %dma_start3A_828 = arith.constant 12480 : i32
    %dma_start3A_829 = tpu.memref_slice %arg5[%dma_start3A_828] : memref<13312xi32, #tpu.memory_space<vmem>> -> memref<832xi32, #tpu.memory_space<vmem>>
    %dma_start3A_830 = arith.constant 0 : i32
    %dma_start3A_831 = arith.constant 0 : i32
    %dma_start3A_832 = tpu.memref_slice %arg3[%dma_start3A_830, %dma_start3A_831] : memref<1000000x32xf32, #tpu.memory_space<hbm>> -> memref<1000000x32xf32, #tpu.memory_space<hbm>>
    %dma_start3A_833 = tpu.memref_slice %arg7[%dma_start3A_823] : memref<4x!tpu.dma_semaphore, #tpu.memory_space<semaphore_mem>> -> memref<1x!tpu.dma_semaphore, #tpu.memory_space<semaphore_mem>>
    %dma_start3A_834 = tpu.memref_squeeze %dma_start3A_833 : memref<1x!tpu.dma_semaphore, #tpu.memory_space<semaphore_mem>> -> memref<!tpu.dma_semaphore, #tpu.memory_space<semaphore_mem>>
    tpu.enqueue_indirect_dma source(%dma_start3A_832 : memref<1000000x32xf32, #tpu.memory_space<hbm>>) target(%dma_start3A_827 : memref<832x32xf32, #tpu.memory_space<vmem>>) offsets(%dma_start3A_829 : memref<832xi32, #tpu.memory_space<vmem>>) semaphore(%dma_start3A_834 : memref<!tpu.dma_semaphore, #tpu.memory_space<semaphore_mem>>)
    %dma_wait3A_835 = arith.constant 2 : i32
    %dma_wait3A_836 = arith.constant 2 : i32
    %dma_wait3A_837 = arith.constant 0 : i32
    %dma_wait3A_838 = arith.constant 0 : i32
    %dma_wait3A_839 = tpu.memref_slice %arg6[%dma_wait3A_835, %dma_wait3A_837, %dma_wait3A_838] : memref<4x832x32xf32, #tpu.memory_space<vmem>> -> memref<1x832x32xf32, #tpu.memory_space<vmem>>
    %dma_wait3A_840 = tpu.memref_squeeze %dma_wait3A_839 : memref<1x832x32xf32, #tpu.memory_space<vmem>> -> memref<832x32xf32, #tpu.memory_space<vmem>>
    %dma_wait3A_841 = arith.constant 11648 : i32
    %dma_wait3A_842 = tpu.memref_slice %arg5[%dma_wait3A_841] : memref<13312xi32, #tpu.memory_space<vmem>> -> memref<832xi32, #tpu.memory_space<vmem>>
    %dma_wait3A_843 = arith.constant 0 : i32
    %dma_wait3A_844 = arith.constant 0 : i32
    %dma_wait3A_845 = tpu.memref_slice %arg3[%dma_wait3A_843, %dma_wait3A_844] : memref<1000000x32xf32, #tpu.memory_space<hbm>> -> memref<1000000x32xf32, #tpu.memory_space<hbm>>
    %dma_wait3A_846 = tpu.memref_slice %arg7[%dma_wait3A_836] : memref<4x!tpu.dma_semaphore, #tpu.memory_space<semaphore_mem>> -> memref<1x!tpu.dma_semaphore, #tpu.memory_space<semaphore_mem>>
    %dma_wait3A_847 = tpu.memref_squeeze %dma_wait3A_846 : memref<1x!tpu.dma_semaphore, #tpu.memory_space<semaphore_mem>> -> memref<!tpu.dma_semaphore, #tpu.memory_space<semaphore_mem>>
    tpu.wait_indirect_dma semaphore(%dma_wait3A_847 : memref<!tpu.dma_semaphore, #tpu.memory_space<semaphore_mem>>) src(%dma_wait3A_845 : memref<1000000x32xf32, #tpu.memory_space<hbm>>) dst(%dma_wait3A_840 : memref<832x32xf32, #tpu.memory_space<vmem>>)
    %add3A_848 = arith.constant 11648 : i32
    %add3A_849 = arith.addi %mul3A_2, %add3A_848 : i32
    %dma_start3A_850 = arith.constant 2 : i32
    %dma_start3A_851 = arith.constant 2 : i32
    %dma_start3A_852 = arith.constant 0 : i32
    %dma_start3A_853 = arith.constant 0 : i32
    %dma_start3A_854 = tpu.memref_slice %arg6[%dma_start3A_850, %dma_start3A_852, %dma_start3A_853] : memref<4x832x32xf32, #tpu.memory_space<vmem>> -> memref<1x832x32xf32, #tpu.memory_space<vmem>>
    %dma_start3A_855 = tpu.memref_squeeze %dma_start3A_854 : memref<1x832x32xf32, #tpu.memory_space<vmem>> -> memref<832x32xf32, #tpu.memory_space<vmem>>
    %dma_start3A_856 = arith.constant 0 : i32
    %dma_start3A_857 = tpu.memref_slice %arg4[%add3A_849, %dma_start3A_856] : memref<425984x32xf32, #tpu.memory_space<hbm>> -> memref<832x32xf32, #tpu.memory_space<hbm>>
    %dma_start3A_858 = tpu.memref_slice %arg8[%dma_start3A_851] : memref<4x!tpu.dma_semaphore, #tpu.memory_space<semaphore_mem>> -> memref<1x!tpu.dma_semaphore, #tpu.memory_space<semaphore_mem>>
    %dma_start3A_859 = tpu.memref_squeeze %dma_start3A_858 : memref<1x!tpu.dma_semaphore, #tpu.memory_space<semaphore_mem>> -> memref<!tpu.dma_semaphore, #tpu.memory_space<semaphore_mem>>
    %dma_start3A_860 = arith.constant 0 : i32
    %dma_start3A_861 = tpu.memref_slice %arg4[%add3A_849, %dma_start3A_860] : memref<425984x32xf32, #tpu.memory_space<hbm>> -> memref<832x32xf32, #tpu.memory_space<hbm>>
    %dma_start3A_862 = arith.constant 0 : i32
    %dma_start3A_863 = arith.constant 0 : i32
    %dma_start3A_864 = tpu.memref_slice %arg6[%dma_start3A_850, %dma_start3A_862, %dma_start3A_863] : memref<4x832x32xf32, #tpu.memory_space<vmem>> -> memref<1x832x32xf32, #tpu.memory_space<vmem>>
    %dma_start3A_865 = tpu.memref_squeeze %dma_start3A_864 : memref<1x832x32xf32, #tpu.memory_space<vmem>> -> memref<832x32xf32, #tpu.memory_space<vmem>>
    tpu.enqueue_dma source(%dma_start3A_865 : memref<832x32xf32, #tpu.memory_space<vmem>>) target(%dma_start3A_861 : memref<832x32xf32, #tpu.memory_space<hbm>>) target_semaphore(%dma_start3A_859 : memref<!tpu.dma_semaphore, #tpu.memory_space<semaphore_mem>>)
    %dma_wait3A_866 = arith.constant 3 : i32
    %dma_wait3A_867 = arith.constant 3 : i32
    %dma_wait3A_868 = arith.constant 0 : i32
    %dma_wait3A_869 = arith.constant 0 : i32
    %dma_wait3A_870 = tpu.memref_slice %arg6[%dma_wait3A_866, %dma_wait3A_868, %dma_wait3A_869] : memref<4x832x32xf32, #tpu.memory_space<vmem>> -> memref<1x832x32xf32, #tpu.memory_space<vmem>>
    %dma_wait3A_871 = tpu.memref_squeeze %dma_wait3A_870 : memref<1x832x32xf32, #tpu.memory_space<vmem>> -> memref<832x32xf32, #tpu.memory_space<vmem>>
    %dma_wait3A_872 = arith.constant 12480 : i32
    %dma_wait3A_873 = tpu.memref_slice %arg5[%dma_wait3A_872] : memref<13312xi32, #tpu.memory_space<vmem>> -> memref<832xi32, #tpu.memory_space<vmem>>
    %dma_wait3A_874 = arith.constant 0 : i32
    %dma_wait3A_875 = arith.constant 0 : i32
    %dma_wait3A_876 = tpu.memref_slice %arg3[%dma_wait3A_874, %dma_wait3A_875] : memref<1000000x32xf32, #tpu.memory_space<hbm>> -> memref<1000000x32xf32, #tpu.memory_space<hbm>>
    %dma_wait3A_877 = tpu.memref_slice %arg7[%dma_wait3A_867] : memref<4x!tpu.dma_semaphore, #tpu.memory_space<semaphore_mem>> -> memref<1x!tpu.dma_semaphore, #tpu.memory_space<semaphore_mem>>
    %dma_wait3A_878 = tpu.memref_squeeze %dma_wait3A_877 : memref<1x!tpu.dma_semaphore, #tpu.memory_space<semaphore_mem>> -> memref<!tpu.dma_semaphore, #tpu.memory_space<semaphore_mem>>
    tpu.wait_indirect_dma semaphore(%dma_wait3A_878 : memref<!tpu.dma_semaphore, #tpu.memory_space<semaphore_mem>>) src(%dma_wait3A_876 : memref<1000000x32xf32, #tpu.memory_space<hbm>>) dst(%dma_wait3A_871 : memref<832x32xf32, #tpu.memory_space<vmem>>)
    %add3A_879 = arith.constant 12480 : i32
    %add3A_880 = arith.addi %mul3A_2, %add3A_879 : i32
    %dma_start3A_881 = arith.constant 3 : i32
    %dma_start3A_882 = arith.constant 3 : i32
    %dma_start3A_883 = arith.constant 0 : i32
    %dma_start3A_884 = arith.constant 0 : i32
    %dma_start3A_885 = tpu.memref_slice %arg6[%dma_start3A_881, %dma_start3A_883, %dma_start3A_884] : memref<4x832x32xf32, #tpu.memory_space<vmem>> -> memref<1x832x32xf32, #tpu.memory_space<vmem>>
    %dma_start3A_886 = tpu.memref_squeeze %dma_start3A_885 : memref<1x832x32xf32, #tpu.memory_space<vmem>> -> memref<832x32xf32, #tpu.memory_space<vmem>>
    %dma_start3A_887 = arith.constant 0 : i32
    %dma_start3A_888 = tpu.memref_slice %arg4[%add3A_880, %dma_start3A_887] : memref<425984x32xf32, #tpu.memory_space<hbm>> -> memref<832x32xf32, #tpu.memory_space<hbm>>
    %dma_start3A_889 = tpu.memref_slice %arg8[%dma_start3A_882] : memref<4x!tpu.dma_semaphore, #tpu.memory_space<semaphore_mem>> -> memref<1x!tpu.dma_semaphore, #tpu.memory_space<semaphore_mem>>
    %dma_start3A_890 = tpu.memref_squeeze %dma_start3A_889 : memref<1x!tpu.dma_semaphore, #tpu.memory_space<semaphore_mem>> -> memref<!tpu.dma_semaphore, #tpu.memory_space<semaphore_mem>>
    %dma_start3A_891 = arith.constant 0 : i32
    %dma_start3A_892 = tpu.memref_slice %arg4[%add3A_880, %dma_start3A_891] : memref<425984x32xf32, #tpu.memory_space<hbm>> -> memref<832x32xf32, #tpu.memory_space<hbm>>
    %dma_start3A_893 = arith.constant 0 : i32
    %dma_start3A_894 = arith.constant 0 : i32
    %dma_start3A_895 = tpu.memref_slice %arg6[%dma_start3A_881, %dma_start3A_893, %dma_start3A_894] : memref<4x832x32xf32, #tpu.memory_space<vmem>> -> memref<1x832x32xf32, #tpu.memory_space<vmem>>
    %dma_start3A_896 = tpu.memref_squeeze %dma_start3A_895 : memref<1x832x32xf32, #tpu.memory_space<vmem>> -> memref<832x32xf32, #tpu.memory_space<vmem>>
    tpu.enqueue_dma source(%dma_start3A_896 : memref<832x32xf32, #tpu.memory_space<vmem>>) target(%dma_start3A_892 : memref<832x32xf32, #tpu.memory_space<hbm>>) target_semaphore(%dma_start3A_890 : memref<!tpu.dma_semaphore, #tpu.memory_space<semaphore_mem>>)
    %dma_wait3A_897 = arith.constant 0 : i32
    %dma_wait3A_898 = arith.constant 0 : i32
    %dma_wait3A_899 = arith.constant 0 : i32
    %dma_wait3A_900 = arith.constant 0 : i32
    %dma_wait3A_901 = tpu.memref_slice %arg6[%dma_wait3A_897, %dma_wait3A_899, %dma_wait3A_900] : memref<4x832x32xf32, #tpu.memory_space<vmem>> -> memref<1x832x32xf32, #tpu.memory_space<vmem>>
    %dma_wait3A_902 = tpu.memref_squeeze %dma_wait3A_901 : memref<1x832x32xf32, #tpu.memory_space<vmem>> -> memref<832x32xf32, #tpu.memory_space<vmem>>
    %dma_wait3A_903 = arith.constant 0 : i32
    %dma_wait3A_904 = tpu.memref_slice %arg4[%add3A_729, %dma_wait3A_903] : memref<425984x32xf32, #tpu.memory_space<hbm>> -> memref<832x32xf32, #tpu.memory_space<hbm>>
    %dma_wait3A_905 = tpu.memref_slice %arg8[%dma_wait3A_898] : memref<4x!tpu.dma_semaphore, #tpu.memory_space<semaphore_mem>> -> memref<1x!tpu.dma_semaphore, #tpu.memory_space<semaphore_mem>>
    %dma_wait3A_906 = tpu.memref_squeeze %dma_wait3A_905 : memref<1x!tpu.dma_semaphore, #tpu.memory_space<semaphore_mem>> -> memref<!tpu.dma_semaphore, #tpu.memory_space<semaphore_mem>>
    %dma_wait3A_907 = arith.constant 0 : i32
    %dma_wait3A_908 = tpu.memref_slice %arg4[%add3A_729, %dma_wait3A_907] : memref<425984x32xf32, #tpu.memory_space<hbm>> -> memref<832x32xf32, #tpu.memory_space<hbm>>
    %dma_wait3A_909 = arith.constant 0 : i32
    %dma_wait3A_910 = arith.constant 0 : i32
    %dma_wait3A_911 = tpu.memref_slice %arg6[%dma_wait3A_897, %dma_wait3A_909, %dma_wait3A_910] : memref<4x832x32xf32, #tpu.memory_space<vmem>> -> memref<1x832x32xf32, #tpu.memory_space<vmem>>
    %dma_wait3A_912 = tpu.memref_squeeze %dma_wait3A_911 : memref<1x832x32xf32, #tpu.memory_space<vmem>> -> memref<832x32xf32, #tpu.memory_space<vmem>>
    tpu.wait_dma2 semaphore(%dma_wait3A_906 : memref<!tpu.dma_semaphore, #tpu.memory_space<semaphore_mem>>) src(%dma_wait3A_912 : memref<832x32xf32, #tpu.memory_space<vmem>>) dst(%dma_wait3A_908 : memref<832x32xf32, #tpu.memory_space<hbm>>)
    %dma_wait3A_913 = arith.constant 1 : i32
    %dma_wait3A_914 = arith.constant 1 : i32
    %dma_wait3A_915 = arith.constant 0 : i32
    %dma_wait3A_916 = arith.constant 0 : i32
    %dma_wait3A_917 = tpu.memref_slice %arg6[%dma_wait3A_913, %dma_wait3A_915, %dma_wait3A_916] : memref<4x832x32xf32, #tpu.memory_space<vmem>> -> memref<1x832x32xf32, #tpu.memory_space<vmem>>
    %dma_wait3A_918 = tpu.memref_squeeze %dma_wait3A_917 : memref<1x832x32xf32, #tpu.memory_space<vmem>> -> memref<832x32xf32, #tpu.memory_space<vmem>>
    %dma_wait3A_919 = arith.constant 0 : i32
    %dma_wait3A_920 = tpu.memref_slice %arg4[%add3A_789, %dma_wait3A_919] : memref<425984x32xf32, #tpu.memory_space<hbm>> -> memref<832x32xf32, #tpu.memory_space<hbm>>
    %dma_wait3A_921 = tpu.memref_slice %arg8[%dma_wait3A_914] : memref<4x!tpu.dma_semaphore, #tpu.memory_space<semaphore_mem>> -> memref<1x!tpu.dma_semaphore, #tpu.memory_space<semaphore_mem>>
    %dma_wait3A_922 = tpu.memref_squeeze %dma_wait3A_921 : memref<1x!tpu.dma_semaphore, #tpu.memory_space<semaphore_mem>> -> memref<!tpu.dma_semaphore, #tpu.memory_space<semaphore_mem>>
    %dma_wait3A_923 = arith.constant 0 : i32
    %dma_wait3A_924 = tpu.memref_slice %arg4[%add3A_789, %dma_wait3A_923] : memref<425984x32xf32, #tpu.memory_space<hbm>> -> memref<832x32xf32, #tpu.memory_space<hbm>>
    %dma_wait3A_925 = arith.constant 0 : i32
    %dma_wait3A_926 = arith.constant 0 : i32
    %dma_wait3A_927 = tpu.memref_slice %arg6[%dma_wait3A_913, %dma_wait3A_925, %dma_wait3A_926] : memref<4x832x32xf32, #tpu.memory_space<vmem>> -> memref<1x832x32xf32, #tpu.memory_space<vmem>>
    %dma_wait3A_928 = tpu.memref_squeeze %dma_wait3A_927 : memref<1x832x32xf32, #tpu.memory_space<vmem>> -> memref<832x32xf32, #tpu.memory_space<vmem>>
    tpu.wait_dma2 semaphore(%dma_wait3A_922 : memref<!tpu.dma_semaphore, #tpu.memory_space<semaphore_mem>>) src(%dma_wait3A_928 : memref<832x32xf32, #tpu.memory_space<vmem>>) dst(%dma_wait3A_924 : memref<832x32xf32, #tpu.memory_space<hbm>>)
    %dma_wait3A_929 = arith.constant 2 : i32
    %dma_wait3A_930 = arith.constant 2 : i32
    %dma_wait3A_931 = arith.constant 0 : i32
    %dma_wait3A_932 = arith.constant 0 : i32
    %dma_wait3A_933 = tpu.memref_slice %arg6[%dma_wait3A_929, %dma_wait3A_931, %dma_wait3A_932] : memref<4x832x32xf32, #tpu.memory_space<vmem>> -> memref<1x832x32xf32, #tpu.memory_space<vmem>>
    %dma_wait3A_934 = tpu.memref_squeeze %dma_wait3A_933 : memref<1x832x32xf32, #tpu.memory_space<vmem>> -> memref<832x32xf32, #tpu.memory_space<vmem>>
    %dma_wait3A_935 = arith.constant 0 : i32
    %dma_wait3A_936 = tpu.memref_slice %arg4[%add3A_849, %dma_wait3A_935] : memref<425984x32xf32, #tpu.memory_space<hbm>> -> memref<832x32xf32, #tpu.memory_space<hbm>>
    %dma_wait3A_937 = tpu.memref_slice %arg8[%dma_wait3A_930] : memref<4x!tpu.dma_semaphore, #tpu.memory_space<semaphore_mem>> -> memref<1x!tpu.dma_semaphore, #tpu.memory_space<semaphore_mem>>
    %dma_wait3A_938 = tpu.memref_squeeze %dma_wait3A_937 : memref<1x!tpu.dma_semaphore, #tpu.memory_space<semaphore_mem>> -> memref<!tpu.dma_semaphore, #tpu.memory_space<semaphore_mem>>
    %dma_wait3A_939 = arith.constant 0 : i32
    %dma_wait3A_940 = tpu.memref_slice %arg4[%add3A_849, %dma_wait3A_939] : memref<425984x32xf32, #tpu.memory_space<hbm>> -> memref<832x32xf32, #tpu.memory_space<hbm>>
    %dma_wait3A_941 = arith.constant 0 : i32
    %dma_wait3A_942 = arith.constant 0 : i32
    %dma_wait3A_943 = tpu.memref_slice %arg6[%dma_wait3A_929, %dma_wait3A_941, %dma_wait3A_942] : memref<4x832x32xf32, #tpu.memory_space<vmem>> -> memref<1x832x32xf32, #tpu.memory_space<vmem>>
    %dma_wait3A_944 = tpu.memref_squeeze %dma_wait3A_943 : memref<1x832x32xf32, #tpu.memory_space<vmem>> -> memref<832x32xf32, #tpu.memory_space<vmem>>
    tpu.wait_dma2 semaphore(%dma_wait3A_938 : memref<!tpu.dma_semaphore, #tpu.memory_space<semaphore_mem>>) src(%dma_wait3A_944 : memref<832x32xf32, #tpu.memory_space<vmem>>) dst(%dma_wait3A_940 : memref<832x32xf32, #tpu.memory_space<hbm>>)
    %dma_wait3A_945 = arith.constant 3 : i32
    %dma_wait3A_946 = arith.constant 3 : i32
    %dma_wait3A_947 = arith.constant 0 : i32
    %dma_wait3A_948 = arith.constant 0 : i32
    %dma_wait3A_949 = tpu.memref_slice %arg6[%dma_wait3A_945, %dma_wait3A_947, %dma_wait3A_948] : memref<4x832x32xf32, #tpu.memory_space<vmem>> -> memref<1x832x32xf32, #tpu.memory_space<vmem>>
    %dma_wait3A_950 = tpu.memref_squeeze %dma_wait3A_949 : memref<1x832x32xf32, #tpu.memory_space<vmem>> -> memref<832x32xf32, #tpu.memory_space<vmem>>
    %dma_wait3A_951 = arith.constant 0 : i32
    %dma_wait3A_952 = tpu.memref_slice %arg4[%add3A_880, %dma_wait3A_951] : memref<425984x32xf32, #tpu.memory_space<hbm>> -> memref<832x32xf32, #tpu.memory_space<hbm>>
    %dma_wait3A_953 = tpu.memref_slice %arg8[%dma_wait3A_946] : memref<4x!tpu.dma_semaphore, #tpu.memory_space<semaphore_mem>> -> memref<1x!tpu.dma_semaphore, #tpu.memory_space<semaphore_mem>>
    %dma_wait3A_954 = tpu.memref_squeeze %dma_wait3A_953 : memref<1x!tpu.dma_semaphore, #tpu.memory_space<semaphore_mem>> -> memref<!tpu.dma_semaphore, #tpu.memory_space<semaphore_mem>>
    %dma_wait3A_955 = arith.constant 0 : i32
    %dma_wait3A_956 = tpu.memref_slice %arg4[%add3A_880, %dma_wait3A_955] : memref<425984x32xf32, #tpu.memory_space<hbm>> -> memref<832x32xf32, #tpu.memory_space<hbm>>
    %dma_wait3A_957 = arith.constant 0 : i32
    %dma_wait3A_958 = arith.constant 0 : i32
    %dma_wait3A_959 = tpu.memref_slice %arg6[%dma_wait3A_945, %dma_wait3A_957, %dma_wait3A_958] : memref<4x832x32xf32, #tpu.memory_space<vmem>> -> memref<1x832x32xf32, #tpu.memory_space<vmem>>
    %dma_wait3A_960 = tpu.memref_squeeze %dma_wait3A_959 : memref<1x832x32xf32, #tpu.memory_space<vmem>> -> memref<832x32xf32, #tpu.memory_space<vmem>>
    tpu.wait_dma2 semaphore(%dma_wait3A_954 : memref<!tpu.dma_semaphore, #tpu.memory_space<semaphore_mem>>) src(%dma_wait3A_960 : memref<832x32xf32, #tpu.memory_space<vmem>>) dst(%dma_wait3A_956 : memref<832x32xf32, #tpu.memory_space<hbm>>)
    return
  }
}

</mosaic_0001>

<sc_bundles>
// kernel: kernel.4.cloned.1.call-start
scs
__scs_entry_jumppad:
0x0: {  	(pc) =	sbr.rel $0x88, $3  }
0x1: {  	(tag) =	ssettag $0x0;
	lr =	simm.s32 $0x1  }
0x2: {  	[smem:$0x3F9F] =	sst lr;
	_ =	strace $0xD0000000  }
0x3: {  	_ = 	snop  }
0x4: {  	_ = 	snop  }
0x5: {  	_ = 	snop  }
0x6: {  	_ = 	snop  }
0x7: {  	_ = 	snop  }
__scs_overlays_trampoline_lowered:
0x8: {  	[smem:$0x3FAE] =	sst s0  }
0x9: {  	[smem:$0x3FAF] =	sst s1  }
0xa: {  	[smem:$0x3FB0] =	sst s2  }
0xb: {  	[smem:$0x3FB1] =	sst s3  }
0xc: {  	[smem:$0x3FB2] =	sst s4  }
0xd: {  	[smem:$0x3FB3] =	sst s5  }
0xe: {  	[smem:$0x3FB4] =	sst s6  }
0xf: {  	[smem:$0x3FB5] =	sst s7  }
0x10: {  	[smem:$0x3FB6] =	sst s8  }
0x11: {  	[smem:$0x3FB7] =	sst s9;
	s0 =	simm.s32 @!p0 $0x0  }
0x12: {  	s1 =	sld [smem:$0x3F9D];
	s0 =	simm.s32 @p0 $0x1  }
0x13: {  	[smem:$0x3FB8] =	sst s0;
	s0 =	simm.s32 @!p1 $0x0  }
0x14: {  	s2 =	sld [smem:$0x3F9C];
	s0 =	simm.s32 @p1 $0x1  }
0x15: {  	[smem:$0x3FB9] =	sst s0;
	s0 =	simm.s32 @!p2 $0x0  }
0x16: {  	s3 =	sld [smem:$0x3FDB];
	s0 =	simm.s32 @p2 $0x1  }
0x17: {  	s4 =	simm.s32 $0x1BF5;
	[smem:$0x3FBB] =	sst s0  }
0x18: {  	s0 =	sld [smem:$0x3F9E];
	_ =	swait.ge [sflag:s4], $0x0  }
0x19: {  	s7 =	sld [smem:$0x3F9F]  }
0x1a: {  	s8 =	sadd.s32 $0xFFFFE003, lr  }
0x1b: {  	s9 =	sadd.s32 $0xFFFFFEF7, lr;
	s5 =	simm.s32 $0xFFFFFFFF;
	p2 =	slt.u32 s8, $0xFFFFF086  }
0x1c: {  	p1 =	slt.u32 s9, $0xF7A;
	s5 =	simm.s32 @!p2 $0x0  }
0x1d: {  	s5 =	simm.s32 @p1 $0x1;
	p0 =	seq.s32 s7, s2  }
0x1e: {  	s7 =	smul.u32 @!p0 $0xF7A, s2;
	p2 =	seq.s32 @!p0 s5, $0x0  }
0x1f: {  	s9 =	smul.u32 $0xF7A, s1;
	s8 =	simm.s32 @!p0 $0x1BF5;
	p2 =	por !p2, p0  }
0x20: {  	[sflag:s8] =	ssyncset.s32 @!p0 $0xFFFFF086;
	s6 =	sadd.s32 @!p0 s3, s7;
	s7 =	simm.s32 @!p0 $0x108  }
0x21: {  	s3 =	sadd.s32 s3, s9;
	s6 =	sadd.s32 @!p0 $0x88, s6;
	s7 =	simm.s32 @p2 $0x1082  }
0x22: {  	[simem:s7], [sflag:s8] =	dma.local @!p0 [hbm:s6], $0xF7A  }
0x23: {  	s9 =	sor.u32 $0xD0000000, s2;
	s6 =	simm.s32 $0x108;
	_ =	swait.ge @!p0 [sflag:s8], $0x0  }
0x24: {  	s3 =	sadd.s32 $0x88, s3;
	s6 =	simm.s32 @!p1 $0x1082;
	[sflag:s4] =	ssyncset.s32 $0xFFFFF086  }
0x25: {  	[simem:s6], [sflag:s4] =	dma.local [hbm:s3], $0xF7A  }
0x26: {  	[smem:$0x3F9F] =	sst s1;
	(tag) =	ssettag s2;
	_ =	strace s9  }
0x27: {  	s1 =	sld [smem:$0x3FAF]  }
0x28: {  	s2 =	sld [smem:$0x3FB0]  }
0x29: {  	s4 =	sld [smem:$0x3FB2]  }
0x2a: {  	p0 =	seq.s32 s5, $0x0;
	s5 =	sld [smem:$0x3FB3]  }
0x2b: {  	s6 =	sld [smem:$0x3FB4]  }
0x2c: {  	s7 =	sld [smem:$0x3FB5]  }
0x2d: {  	s3 =	simm.s32 $0x108;
	s8 =	sld [smem:$0x3FB6]  }
0x2e: {  	s3 =	simm.s32 @!p0 $0x1082;
	s9 =	sld [smem:$0x3FB7]  }
0x2f: {  	lr =	sadd.s32 s0, s3;
	s0 =	sld [smem:$0x3FAE]  }
0x30: {  	s3 =	sld [smem:$0x3FB1]  }
0x31: {  	[smem:$0x3FBA] =	sst s10  }
0x32: {  	s10 =	sld [smem:$0x3FB8];
	_ =	sdelay $0x3  }
0x33: {  	p0 =	seq.s32 s10, $0x1;
	s10 =	sld [smem:$0x3FBA];
	_ =	sdelay $0x3  }
0x34: {  	[smem:$0x3FBA] =	sst s10  }
0x35: {  	s10 =	sld [smem:$0x3FB9];
	_ =	sdelay $0x3  }
0x36: {  	p1 =	seq.s32 s10, $0x1;
	s10 =	sld [smem:$0x3FBA];
	_ =	sdelay $0x3  }
0x37: {  	[smem:$0x3FBA] =	sst s10  }
0x38: {  	s10 =	sld [smem:$0x3FBB]  }
0x39: {  	_ = 	snop;
	(pc) =	sbr.ind lr, $3  }
0x3a: {  	_ = 	snop  }
0x3b: {  	_ = 	snop  }
0x3c: {  	p2 =	seq.s32 s10, $0x1;
	s10 =	sld [smem:$0x3FBA]  }
0x3d: {  	_ =	shalt  }
0x3e: {  	_ =	shalt  }
0x3f: {  	_ =	shalt  }
0x40: {  	_ =	shalt  }
0x41: {  	_ =	shalt  }
0x42: {  	_ =	shalt  }
0x43: {  	_ =	shalt  }
0x44: {  	_ =	shalt  }
0x45: {  	_ =	shalt  }
0x46: {  	_ =	shalt  }
0x47: {  	_ =	shalt  }
0x48: {  	_ =	shalt  }
0x49: {  	_ =	shalt  }
0x4a: {  	_ =	shalt  }
0x4b: {  	_ =	shalt  }
0x4c: {  	_ =	shalt  }
0x4d: {  	_ =	shalt  }
0x4e: {  	_ =	shalt  }
0x4f: {  	_ =	shalt  }
0x50: {  	_ =	shalt  }
0x51: {  	_ =	shalt  }
0x52: {  	_ =	shalt  }
0x53: {  	_ =	shalt  }
0x54: {  	_ =	shalt  }
0x55: {  	_ =	shalt  }
0x56: {  	_ =	shalt  }
0x57: {  	_ =	shalt  }
0x58: {  	_ =	shalt  }
0x59: {  	_ =	shalt  }
0x5a: {  	_ =	shalt  }
0x5b: {  	_ =	shalt  }
0x5c: {  	_ =	shalt  }
0x5d: {  	_ =	shalt  }
0x5e: {  	_ =	shalt  }
0x5f: {  	_ =	shalt  }
0x60: {  	_ =	shalt  }
0x61: {  	_ =	shalt  }
0x62: {  	_ =	shalt  }
0x63: {  	_ =	shalt  }
0x64: {  	_ =	shalt  }
0x65: {  	_ =	shalt  }
0x66: {  	_ =	shalt  }
0x67: {  	_ =	shalt  }
0x68: {  	_ =	shalt  }
0x69: {  	_ =	shalt  }
0x6a: {  	_ =	shalt  }
0x6b: {  	_ =	shalt  }
0x6c: {  	_ =	shalt  }
0x6d: {  	_ =	shalt  }
0x6e: {  	_ =	shalt  }
0x6f: {  	_ =	shalt  }
0x70: {  	_ =	shalt  }
0x71: {  	_ =	shalt  }
0x72: {  	_ =	shalt  }
0x73: {  	_ =	shalt  }
0x74: {  	_ =	shalt  }
0x75: {  	_ =	shalt  }
0x76: {  	_ =	shalt  }
0x77: {  	_ =	shalt  }
0x78: {  	_ =	shalt  }
0x79: {  	_ =	shalt  }
0x7a: {  	_ =	shalt  }
0x7b: {  	_ =	shalt  }
0x7c: {  	_ =	shalt  }
0x7d: {  	_ =	shalt  }
0x7e: {  	_ =	shalt  }
0x7f: {  	_ =	shalt  }
0x80: {  	_ =	shalt  }
0x81: {  	_ =	shalt  }
0x82: {  	_ =	shalt  }
0x83: {  	_ =	shalt  }
0x84: {  	_ =	shalt  }
0x85: {  	_ =	shalt  }
0x86: {  	_ =	shalt  }
0x87: {  	_ =	shalt  }
.Lfunc_end0:
.L_simem_size_0:
called_computation.1_lowered:
.L_overlay_start_0:
0x88: {  	s2 =	sld [smem:$0x3FD9]  }
0x89: {  	s3 =	sld [smem:$0x3FFE];
	_ =	sdelay $0x1  }
0x8a: {  	s1 =	srdreg.scid  }
0x8b: {  	s0 =	sand.u32 $0x1, s1  }
0x8c: {  	s17 =	sshll.u32 s0, $0xA;
	s2 =	sadd.s32 s3, s2  }
0x8d: {  	s2 =	sadd.s32 s2, s17  }
0x8e: {  	[smem:$0x3FC6] =	sst s2  }
0x8f: {  	_ = 	snop  }
0x90: {  	s2 =	sld [smem:$0x3FC9];
	(tm) =	ssettm $0x1  }
0x91: {  	s18 =	sld [smem:$0x3FFB];
	_ =	sdelay $0x3  }
0x92: {  	_ =	strace s18  }
0x93: {  	s3 =	sld [smem:$0x3FFC];
	_ =	sdelay $0x3  }
0x94: {  	_ =	strace s3  }
0x95: {  	s3 =	sld [smem:$0x3FFD];
	_ =	sdelay $0x3  }
0x96: {  	_ =	strace s3  }
0x97: {  	_ =	strace $0x8FFFFFFF  }
0x98: {  	s19 =	sld [smem:$0x3FDB];
	_ =	sdelay $0x1  }
0x99: {  	s4 =	simm.s32 $_scs_section_size  }
0x9a: {  	s5 =	simm.s32 $_size__tile_overlayer_lowered;
	s6 =	simm.s32 $_tile_overlayer_lowered  }
0x9b: {  	s22 =	simm.s32 $0x1BFF;
	s21 =	sshll.u32 s6, $0x1;
	s3 =	sadd.s32 s4, s19  }
0x9c: {  	s7 =	simm.s32 $0x0;
	s20 =	sshll.u32 s5, $0x1;
	s5 =	sadd.s32 s21, s3  }
0x9d: {  	[timem:s7], [sflag:s22] =	dma.local [hbm:s5], s20  }
0x9e: {  	_ =	swait.ge [sflag:s22], s20  }
0x9f: {  	s4 =	ssub.s32 $0x0, s20;
	[sflag:s22] =	ssyncset.done $0x0  }
0xa0: {  	[sflag:s22] =	ssyncadd.s32 s4;
	_ =	sdelay $0x1  }
0xa1: {  	s23 =	simm.s32 $0x1B8B  }
0xa2: {  	_ =	swait.ge [sflag:s23], $0x1  }
0xa3: {  	[sflag:s23] =	ssyncset.done $0x0  }
0xa4: {  	s25 =	simm.s32 $0x1B8E;
	s24 =	sld [smem:$0x3FFE];
	[sflag:s23] =	ssyncadd.s32 $0xFFFFFFFF  }
0xa5: {  	s26 =	simm.s32 $execute0_lowered;
	[smem:$0x3FD2] =	sst s25  }
0xa6: {  	s5 =	sshll.u32 s26, $0x1;
	_ =	strace $0x80000046;
	[dreg:$0x1] =	wrdreg $0xFFFFFFFF  }
0xa7: {  	s28 =	simm.s32 $_size_execute0_lowered;
	s3 =	sadd.s32 s3, s5;
	[dreg:$0x0] =	wrdreg $0x0  }
0xa8: {  	s5 =	sshll.u32 s28, $0x1;
	[dreg:$0x2] =	wrdreg s3  }
0xa9: {  	[dreg:$0x3] =	wrdreg s5  }
0xaa: {  	[dreg:$0x4] =	wrdreg $0xC0  }
0xab: {  	_ =	task [dreg:s7], $0x5FFFF  }
0xac: {  	[dreg:$0x1] =	wrdreg $0xFFFFFFFF  }
0xad: {  	[dreg:$0x0] =	wrdreg $0x60  }
0xae: {  	[dreg:$0x2] =	wrdreg s2  }
0xaf: {  	[dreg:$0x3] =	wrdreg s24  }
0xb0: {  	[dreg:$0x4] =	wrdreg $0x9  }
0xb1: {  	_ =	task.clear_ibuf [dreg:s7], $0x5FFFF;
	_ =	strace $0x90000046  }
0xb2: {  	s29 =	simm.s32 $0x9;
	_ =	strace $0x80000048  }
0xb3: {  	_ =	swait.ge [sflag:s29], $0x1  }
0xb4: {  	[sflag:s29] =	ssyncadd.s32 $0xFFFFFFFF  }
0xb5: {  	_ =	strace $0x90000048  }
0xb6: {  	_ =	sfence  }
0xb7: {  	s30 =	sld [smem:$0x0];
	_ =	sdelay $0x2  }
0xb8: {  	s31 =	sshll.u32 s1, $0xD;
	s1 =	sshrl.u32 s1, $0x2  }
0xb9: {  	s3 =	sand.u32 $0x4000, s31;
	s1 =	sadd.s32 s1, s30  }
0xba: {  	s0 =	sor.u32 s3, s0;
	s1 =	sshll.u32 s1, $0x11  }
0xbb: {  	s0 =	sor.u32 s1, s0  }
0xbc: {  	s0 =	sadd.s32 $0x8F2B, s0  }
0xbd: {  	[sflag:s0] =	ssyncadd.remote.s32 $0x1  }
0xbe: {  	_ =	sfence.sel $0xFFFF  }
0xbf: {  	[dreg:$0x0] =	wrdreg $0xFFFFFFFF;
	(pc) =	sbr.abs _section_cstart, $3  }
0xc0: {  	[dreg:$0x1] =	wrdreg $0xFFFFFFFF  }
0xc1: {  	_ =	task.clear_ibuf [dreg:s7], $0x2FFFF;
	_ =	strace $0x9FFFFFFF  }
0xc2: {  	(tm) =	ssettm $0x7FFFFFFF  }
0xc3: {  	_ =	shalt  }
tec
execute0_lowered:
.L_overlay_start_1:
0x0: {  	(tag) =	ssettag $0x1  }
0x1: {  	s1 =	stileid.u32  }
0x2: {  	p0 =	sgt.u32 s1, $0xC  }
.Ltmp0:
0x3: {  	_ = 	snop;
	(pc) =	sbr.rel @p0 .LBB2_4-.Ltmp0, $4  }
0x4: {  	s3 =	rddreg [dreg:$0x0]  }
0x5: {  	s7 =	rddreg [dreg:$0x1];
	s2 =	simm.s32 $0x0  }
0x6: {  	[smem:$0x7FF] =	sst s2  }
0x7: {  	s0 =	rddreg [dreg:$0x2];
	_ =	strace $0x80000047  }
0x8: {  	s4 =	srdreg.scid  }
0x9: {  	s5 =	sshll.u32 s1, $0x1;
	s29 =	sshll.u32 s1, $0xC;
	s4 =	sand.u32 $0x1, s4  }
0xa: {  	s8 =	sor.u32 s4, s5;
	s5 =	sand.u32 $0xC000, s29;
	s9 =	ssub.s32 $0x2, s4  }
0xb: {  	s4 =	simm.s32 $0x80;
	s6 =	sshll.u32 s8, $0x4;
	s3 =	sadd.s32 s3, s5  }
0xc: {  	s5 =	simm.s32 $0x1;
	s8 =	sshll.u32 s8, $0xB;
	s10 =	sshrl.u32 s9, $0x1  }
0xd: {  	s30 =	sand.u32 $0x70, s6;
	s6 =	simm.s32 $0x400;
	s31 =	ssub.s32 s9, s10  }
0xe: {  	s7 =	sadd.s32 s8, s7;
	s3 =	sadd.s32 s30, s3;
	s8 =	smax.u32 s31, $0x1  }
0xf: {  	[tilespmem:s2], [sflag:$0x1] =	stream.strided.gather [hbm4b:s3+s4], $0x4000, s6, s4, $0x38;
	[tilespmem:$0x4000] =	vst v63  }
0x10: {  	p0 =	sne.s32 s8, $0x1;
	_ =	swait.ge [sflag:s5], $0x4000  }
.Ltmp1:
0x11: {  	[sflag:s5] =	ssyncset.done $0x0;
	(pc) =	sbr.rel @!p0 .LBB2_3-.Ltmp1, $4  }
0x12: {  	s7 =	sadd.s32 $0xC00, s7;
	[sflag:s5] =	ssyncadd.s32 $0xFFFFC000  }
0x13: {  	[hbm4b:s7+s2] =	stream.linear.scatter [tilespmem:s2], [sflag:$0x1], $0x4000, $0x38;
	[tilespmem:$0x4000] =	vst v63  }
0x14: {  	_ =	swait.ge [sflag:s5], $0x4000  }
0x15: {  	s8 =	sadd.s32 $0xFFFFFFFF, s8;
	[sflag:s5] =	ssyncset.done $0x0  }
.LBB2_2:
0x16: {  	p0 =	sne.s32 s8, $0x1;
	s8 =	sadd.s32 $0xFFFFFFFF, s8;
	[sflag:s5] =	ssyncadd.s32 $0xFFFFC000  }
0x17: {  	[tilespmem:s2], [sflag:$0x1] =	stream.strided.gather [hbm4b:s3+s4], $0x4000, s6, s4, $0x38;
	[tilespmem:$0x4000] =	vst v63  }
0x18: {  	_ =	swait.ge [sflag:s5], $0x4000  }
.Ltmp2:
0x19: {  	[sflag:s5] =	ssyncset.done $0x0;
	(pc) =	sbr.rel @p0 .LBB2_2-.Ltmp2, $4  }
0x1a: {  	[sflag:s5] =	ssyncadd.s32 $0xFFFFC000  }
0x1b: {  	[hbm4b:s7+s2] =	stream.linear.scatter [tilespmem:s2], [sflag:$0x1], $0x4000, $0x38;
	[tilespmem:$0x4000] =	vst v63  }
0x1c: {  	_ =	swait.ge [sflag:s5], $0x4000  }
0x1d: {  	[sflag:s5] =	ssyncset.done $0x0  }
.LBB2_3:
0x1e: {  	[sflag:s5] =	ssyncadd.s32 $0xFFFFC000  }
.LBB2_4:
0x1f: {  	_ =	sfence.sel $0x180000  }
0x20: {  	[bflag:$0x0] =	sbarrier.arrive $0xFFFF  }
0x21: {  	p0 =	sne.s32 s1, $0x0;
	_ =	strace $0x90000047  }
0x22: {  	s0 =	sadd.s32 @!p0 $0x100000, s0;
	[bflag:$0x2] =	sbarrier.arrive $0xFFFF  }
0x23: {  	[sflag:s0] =	ssyncadd.tile.s32 @!p0 $0x1;
	_ =	shalt  }
.Lfunc_end2:
_tile_overlayer_lowered:
.L_overlay_start_2:
0x24: {  	(tag) =	ssettag $0x2  }
0x25: {  	s0 =	rddreg [dreg:$0x0];
	s2 =	stileid.u32  }
0x26: {  	s1 =	rddreg [dreg:$0x1];
	p0 =	sne.s32 s2, $0x0  }
0x27: {  	s3 =	rddreg [dreg:$0x2];
	[bflag:$0x3] =	sbarrier.arrive $0xFFFF;
	s2 =	simm.s32 @!p0 $0x1C01  }
0x28: {  	[timem:s3], [sflag:s2] =	dma.local @!p0 [hbm:s0], s1  }
0x29: {  	s0 =	simm.s32 @!p0 $0x1  }
0x2a: {  	_ =	swait.ge @!p0 [sflag:s0], s1  }
0x2b: {  	s1 =	ssub.s32 @!p0 $0x0, s1;
	[sflag:s0] =	ssyncset.done @!p0 $0x0  }
0x2c: {  	[sflag:s0] =	ssyncadd.s32 @!p0 s1  }
0x2d: {  	[bflag:$0x3] =	sbarrier.arrive $0xFFFF  }
0x2e: {  	_ =	shalt  }

// kernel: kernel.7.cloned.1.call-start
scs
__scs_entry_jumppad:
0x0: {  	(pc) =	sbr.rel $0x88, $3  }
0x1: {  	(tag) =	ssettag $0x0;
	lr =	simm.s32 $0x1  }
0x2: {  	[smem:$0x3F9F] =	sst lr;
	_ =	strace $0xD0000000  }
0x3: {  	_ = 	snop  }
0x4: {  	_ = 	snop  }
0x5: {  	_ = 	snop  }
0x6: {  	_ = 	snop  }
0x7: {  	_ = 	snop  }
__scs_overlays_trampoline_lowered:
0x8: {  	[smem:$0x3FAE] =	sst s0  }
0x9: {  	[smem:$0x3FAF] =	sst s1  }
0xa: {  	[smem:$0x3FB0] =	sst s2  }
0xb: {  	[smem:$0x3FB1] =	sst s3  }
0xc: {  	[smem:$0x3FB2] =	sst s4  }
0xd: {  	[smem:$0x3FB3] =	sst s5  }
0xe: {  	[smem:$0x3FB4] =	sst s6  }
0xf: {  	[smem:$0x3FB5] =	sst s7  }
0x10: {  	[smem:$0x3FB6] =	sst s8  }
0x11: {  	[smem:$0x3FB7] =	sst s9;
	s0 =	simm.s32 @!p0 $0x0  }
0x12: {  	s1 =	sld [smem:$0x3F9D];
	s0 =	simm.s32 @p0 $0x1  }
0x13: {  	[smem:$0x3FB8] =	sst s0;
	s0 =	simm.s32 @!p1 $0x0  }
0x14: {  	s2 =	sld [smem:$0x3F9C];
	s0 =	simm.s32 @p1 $0x1  }
0x15: {  	[smem:$0x3FB9] =	sst s0;
	s0 =	simm.s32 @!p2 $0x0  }
0x16: {  	s3 =	sld [smem:$0x3FDB];
	s0 =	simm.s32 @p2 $0x1  }
0x17: {  	s4 =	simm.s32 $0x1BF5;
	[smem:$0x3FBB] =	sst s0  }
0x18: {  	s0 =	sld [smem:$0x3F9E];
	_ =	swait.ge [sflag:s4], $0x0  }
0x19: {  	s7 =	sld [smem:$0x3F9F]  }
0x1a: {  	s8 =	sadd.s32 $0xFFFFE003, lr  }
0x1b: {  	s9 =	sadd.s32 $0xFFFFFEF7, lr;
	s5 =	simm.s32 $0xFFFFFFFF;
	p2 =	slt.u32 s8, $0xFFFFF086  }
0x1c: {  	p1 =	slt.u32 s9, $0xF7A;
	s5 =	simm.s32 @!p2 $0x0  }
0x1d: {  	s5 =	simm.s32 @p1 $0x1;
	p0 =	seq.s32 s7, s2  }
0x1e: {  	s7 =	smul.u32 @!p0 $0xF7A, s2;
	p2 =	seq.s32 @!p0 s5, $0x0  }
0x1f: {  	s9 =	smul.u32 $0xF7A, s1;
	s8 =	simm.s32 @!p0 $0x1BF5;
	p2 =	por !p2, p0  }
0x20: {  	[sflag:s8] =	ssyncset.s32 @!p0 $0xFFFFF086;
	s6 =	sadd.s32 @!p0 s3, s7;
	s7 =	simm.s32 @!p0 $0x108  }
0x21: {  	s3 =	sadd.s32 s3, s9;
	s6 =	sadd.s32 @!p0 $0x88, s6;
	s7 =	simm.s32 @p2 $0x1082  }
0x22: {  	[simem:s7], [sflag:s8] =	dma.local @!p0 [hbm:s6], $0xF7A  }
0x23: {  	s9 =	sor.u32 $0xD0000000, s2;
	s6 =	simm.s32 $0x108;
	_ =	swait.ge @!p0 [sflag:s8], $0x0  }
0x24: {  	s3 =	sadd.s32 $0x88, s3;
	s6 =	simm.s32 @!p1 $0x1082;
	[sflag:s4] =	ssyncset.s32 $0xFFFFF086  }
0x25: {  	[simem:s6], [sflag:s4] =	dma.local [hbm:s3], $0xF7A  }
0x26: {  	[smem:$0x3F9F] =	sst s1;
	(tag) =	ssettag s2;
	_ =	strace s9  }
0x27: {  	s1 =	sld [smem:$0x3FAF]  }
0x28: {  	s2 =	sld [smem:$0x3FB0]  }
0x29: {  	s4 =	sld [smem:$0x3FB2]  }
0x2a: {  	p0 =	seq.s32 s5, $0x0;
	s5 =	sld [smem:$0x3FB3]  }
0x2b: {  	s6 =	sld [smem:$0x3FB4]  }
0x2c: {  	s7 =	sld [smem:$0x3FB5]  }
0x2d: {  	s3 =	simm.s32 $0x108;
	s8 =	sld [smem:$0x3FB6]  }
0x2e: {  	s3 =	simm.s32 @!p0 $0x1082;
	s9 =	sld [smem:$0x3FB7]  }
0x2f: {  	lr =	sadd.s32 s0, s3;
	s0 =	sld [smem:$0x3FAE]  }
0x30: {  	s3 =	sld [smem:$0x3FB1]  }
0x31: {  	[smem:$0x3FBA] =	sst s10  }
0x32: {  	s10 =	sld [smem:$0x3FB8];
	_ =	sdelay $0x3  }
0x33: {  	p0 =	seq.s32 s10, $0x1;
	s10 =	sld [smem:$0x3FBA];
	_ =	sdelay $0x3  }
0x34: {  	[smem:$0x3FBA] =	sst s10  }
0x35: {  	s10 =	sld [smem:$0x3FB9];
	_ =	sdelay $0x3  }
0x36: {  	p1 =	seq.s32 s10, $0x1;
	s10 =	sld [smem:$0x3FBA];
	_ =	sdelay $0x3  }
0x37: {  	[smem:$0x3FBA] =	sst s10  }
0x38: {  	s10 =	sld [smem:$0x3FBB]  }
0x39: {  	_ = 	snop;
	(pc) =	sbr.ind lr, $3  }
0x3a: {  	_ = 	snop  }
0x3b: {  	_ = 	snop  }
0x3c: {  	p2 =	seq.s32 s10, $0x1;
	s10 =	sld [smem:$0x3FBA]  }
0x3d: {  	_ =	shalt  }
0x3e: {  	_ =	shalt  }
0x3f: {  	_ =	shalt  }
0x40: {  	_ =	shalt  }
0x41: {  	_ =	shalt  }
0x42: {  	_ =	shalt  }
0x43: {  	_ =	shalt  }
0x44: {  	_ =	shalt  }
0x45: {  	_ =	shalt  }
0x46: {  	_ =	shalt  }
0x47: {  	_ =	shalt  }
0x48: {  	_ =	shalt  }
0x49: {  	_ =	shalt  }
0x4a: {  	_ =	shalt  }
0x4b: {  	_ =	shalt  }
0x4c: {  	_ =	shalt  }
0x4d: {  	_ =	shalt  }
0x4e: {  	_ =	shalt  }
0x4f: {  	_ =	shalt  }
0x50: {  	_ =	shalt  }
0x51: {  	_ =	shalt  }
0x52: {  	_ =	shalt  }
0x53: {  	_ =	shalt  }
0x54: {  	_ =	shalt  }
0x55: {  	_ =	shalt  }
0x56: {  	_ =	shalt  }
0x57: {  	_ =	shalt  }
0x58: {  	_ =	shalt  }
0x59: {  	_ =	shalt  }
0x5a: {  	_ =	shalt  }
0x5b: {  	_ =	shalt  }
0x5c: {  	_ =	shalt  }
0x5d: {  	_ =	shalt  }
0x5e: {  	_ =	shalt  }
0x5f: {  	_ =	shalt  }
0x60: {  	_ =	shalt  }
0x61: {  	_ =	shalt  }
0x62: {  	_ =	shalt  }
0x63: {  	_ =	shalt  }
0x64: {  	_ =	shalt  }
0x65: {  	_ =	shalt  }
0x66: {  	_ =	shalt  }
0x67: {  	_ =	shalt  }
0x68: {  	_ =	shalt  }
0x69: {  	_ =	shalt  }
0x6a: {  	_ =	shalt  }
0x6b: {  	_ =	shalt  }
0x6c: {  	_ =	shalt  }
0x6d: {  	_ =	shalt  }
0x6e: {  	_ =	shalt  }
0x6f: {  	_ =	shalt  }
0x70: {  	_ =	shalt  }
0x71: {  	_ =	shalt  }
0x72: {  	_ =	shalt  }
0x73: {  	_ =	shalt  }
0x74: {  	_ =	shalt  }
0x75: {  	_ =	shalt  }
0x76: {  	_ =	shalt  }
0x77: {  	_ =	shalt  }
0x78: {  	_ =	shalt  }
0x79: {  	_ =	shalt  }
0x7a: {  	_ =	shalt  }
0x7b: {  	_ =	shalt  }
0x7c: {  	_ =	shalt  }
0x7d: {  	_ =	shalt  }
0x7e: {  	_ =	shalt  }
0x7f: {  	_ =	shalt  }
0x80: {  	_ =	shalt  }
0x81: {  	_ =	shalt  }
0x82: {  	_ =	shalt  }
0x83: {  	_ =	shalt  }
0x84: {  	_ =	shalt  }
0x85: {  	_ =	shalt  }
0x86: {  	_ =	shalt  }
0x87: {  	_ =	shalt  }
.Lfunc_end0:
.L_simem_size_0:
called_computation.2_lowered:
.L_overlay_start_0:
0x88: {  	s2 =	sld [smem:$0x3FD9]  }
0x89: {  	s3 =	sld [smem:$0x3FFE];
	_ =	sdelay $0x1  }
0x8a: {  	s1 =	srdreg.scid  }
0x8b: {  	s0 =	sand.u32 $0x1, s1  }
0x8c: {  	s17 =	sshll.u32 s0, $0xA;
	s2 =	sadd.s32 s3, s2  }
0x8d: {  	s2 =	sadd.s32 s2, s17  }
0x8e: {  	[smem:$0x3FC6] =	sst s2  }
0x8f: {  	_ = 	snop  }
0x90: {  	s2 =	sld [smem:$0x3FD0];
	(tm) =	ssettm $0x1  }
0x91: {  	s18 =	sld [smem:$0x3FFB];
	_ =	sdelay $0x3  }
0x92: {  	_ =	strace s18  }
0x93: {  	s3 =	sld [smem:$0x3FFC];
	_ =	sdelay $0x3  }
0x94: {  	_ =	strace s3  }
0x95: {  	s3 =	sld [smem:$0x3FFD];
	_ =	sdelay $0x3  }
0x96: {  	_ =	strace s3  }
0x97: {  	_ =	strace $0x8FFFFFFF  }
0x98: {  	s19 =	sld [smem:$0x3FDB];
	_ =	sdelay $0x1  }
0x99: {  	s4 =	simm.s32 $_scs_section_size  }
0x9a: {  	s5 =	simm.s32 $_size__tile_overlayer_lowered;
	s6 =	simm.s32 $_tile_overlayer_lowered  }
0x9b: {  	s22 =	simm.s32 $0x1BFF;
	s21 =	sshll.u32 s6, $0x1;
	s3 =	sadd.s32 s4, s19  }
0x9c: {  	s7 =	simm.s32 $0x0;
	s20 =	sshll.u32 s5, $0x1;
	s5 =	sadd.s32 s21, s3  }
0x9d: {  	[timem:s7], [sflag:s22] =	dma.local [hbm:s5], s20  }
0x9e: {  	_ =	swait.ge [sflag:s22], s20  }
0x9f: {  	s4 =	ssub.s32 $0x0, s20;
	[sflag:s22] =	ssyncset.done $0x0  }
0xa0: {  	[sflag:s22] =	ssyncadd.s32 s4;
	_ =	sdelay $0x1  }
0xa1: {  	s23 =	simm.s32 $0x1B8B  }
0xa2: {  	_ =	swait.ge [sflag:s23], $0x1  }
0xa3: {  	[sflag:s23] =	ssyncset.done $0x0  }
0xa4: {  	s25 =	simm.s32 $0x1B8E;
	s24 =	sld [smem:$0x3FFE];
	[sflag:s23] =	ssyncadd.s32 $0xFFFFFFFF  }
0xa5: {  	s26 =	simm.s32 $execute0_lowered;
	[smem:$0x3FD2] =	sst s25  }
0xa6: {  	s5 =	sshll.u32 s26, $0x1;
	_ =	strace $0x80000049;
	[dreg:$0x1] =	wrdreg $0xFFFFFFFF  }
0xa7: {  	s28 =	simm.s32 $_size_execute0_lowered;
	s3 =	sadd.s32 s3, s5;
	[dreg:$0x0] =	wrdreg $0x0  }
0xa8: {  	s5 =	sshll.u32 s28, $0x1;
	[dreg:$0x2] =	wrdreg s3  }
0xa9: {  	[dreg:$0x3] =	wrdreg s5  }
0xaa: {  	[dreg:$0x4] =	wrdreg $0xC0  }
0xab: {  	_ =	task [dreg:s7], $0x5FFFF  }
0xac: {  	[dreg:$0x1] =	wrdreg $0xFFFFFFFF  }
0xad: {  	[dreg:$0x0] =	wrdreg $0x60  }
0xae: {  	[dreg:$0x2] =	wrdreg s24  }
0xaf: {  	[dreg:$0x3] =	wrdreg s2  }
0xb0: {  	[dreg:$0x4] =	wrdreg $0x9  }
0xb1: {  	_ =	task.clear_ibuf [dreg:s7], $0x5FFFF;
	_ =	strace $0x90000049  }
0xb2: {  	s29 =	simm.s32 $0x9;
	_ =	strace $0x8000004B  }
0xb3: {  	_ =	swait.ge [sflag:s29], $0x1  }
0xb4: {  	[sflag:s29] =	ssyncadd.s32 $0xFFFFFFFF  }
0xb5: {  	_ =	strace $0x9000004B  }
0xb6: {  	_ =	sfence  }
0xb7: {  	s30 =	sld [smem:$0x0];
	_ =	sdelay $0x2  }
0xb8: {  	s31 =	sshll.u32 s1, $0xD;
	s1 =	sshrl.u32 s1, $0x2  }
0xb9: {  	s3 =	sand.u32 $0x4000, s31;
	s1 =	sadd.s32 s1, s30  }
0xba: {  	s0 =	sor.u32 s3, s0;
	s1 =	sshll.u32 s1, $0x11  }
0xbb: {  	s0 =	sor.u32 s1, s0  }
0xbc: {  	s0 =	sadd.s32 $0x8F2B, s0  }
0xbd: {  	[sflag:s0] =	ssyncadd.remote.s32 $0x1  }
0xbe: {  	_ =	sfence.sel $0xFFFF  }
0xbf: {  	[dreg:$0x0] =	wrdreg $0xFFFFFFFF;
	(pc) =	sbr.abs _section_cstart, $3  }
0xc0: {  	[dreg:$0x1] =	wrdreg $0xFFFFFFFF  }
0xc1: {  	_ =	task.clear_ibuf [dreg:s7], $0x2FFFF;
	_ =	strace $0x9FFFFFFF  }
0xc2: {  	(tm) =	ssettm $0x7FFFFFFF  }
0xc3: {  	_ =	shalt  }
tec
execute0_lowered:
.L_overlay_start_1:
0x0: {  	(tag) =	ssettag $0x1  }
0x1: {  	s0 =	srdreg.scid;
	s3 =	rddreg [dreg:$0x0]  }
0x2: {  	s17 =	stileid.u32;
	s4 =	rddreg [dreg:$0x1]  }
0x3: {  	s2 =	simm.s32 $0x0;
	s0 =	sand.u32 $0x1, s0;
	s1 =	sshll.u32 s17, $0x1  }
0x4: {  	s31 =	simm.s32 $0x9;
	s8 =	simm.s32 $0x340;
	s1 =	sor.u32 s0, s1  }
0x5: {  	s25 =	simm.s32 $0x680;
	s26 =	simm.s32 $0x9C0;
	s5 =	smul.u32 $0x680, s1  }
0x6: {  	s7 =	simm.s32 $0x6;
	[smem:$0x7FF] =	sst s2;
	s6 =	smul.u32 $0xD000, s1  }
0x7: {  	_ =	strace $0x8000004A;
	[dreg:$0x13] =	wrdreg s25;
	s1 =	smul.u32 $0x68000, s1  }
0x8: {  	s30 =	simm.s32 $0x1040;
	[dreg:$0x14] =	wrdreg s26;
	s5 =	sadd.s32 s5, s3  }
0x9: {  	s23 =	sadd.s32 s4, s6;
	s1 =	sshrl.u32 s1, $0x3;
	s5 =	sadd.s32 $0xC00, s5  }
0xa: {  	s9 =	sadd.s32 $0xD00, s23;
	s1 =	sadd.s32 s4, s1;
	[dreg:$0x3] =	wrdreg s5  }
0xb: {  	s29 =	simm.s32 $0x1380;
	[dreg:$0x4] =	wrdreg s9;
	s4 =	sadd.s32 $0x1A00, s1  }
0xc: {  	s28 =	simm.s32 $0x16C0;
	s10 =	sadd.s32 $0x2700, s1;
	[dreg:$0x5] =	wrdreg s4  }
0xd: {  	p0 =	por $0x0, $0x0;
	s11 =	sadd.s32 $0x3400, s1;
	[dreg:$0x6] =	wrdreg s10  }
0xe: {  	s0 =	ssub.s32 $0x2, s0;
	s12 =	sadd.s32 $0x4100, s1;
	[dreg:$0x7] =	wrdreg s11  }
0xf: {  	s26 =	simm.s32 $0x1A00;
	s13 =	sadd.s32 $0x4E00, s1;
	[dreg:$0x8] =	wrdreg s12  }
0x10: {  	s25 =	simm.s32 $0x1D40;
	s14 =	sadd.s32 $0x5B00, s1;
	[dreg:$0x9] =	wrdreg s13  }
0x11: {  	s22 =	sshrl.u32 s0, $0x1;
	s15 =	sadd.s32 $0x6800, s1;
	[dreg:$0xa] =	wrdreg s14  }
0x12: {  	s0 =	ssub.s32 s0, s22;
	s16 =	sadd.s32 $0x7500, s1;
	[dreg:$0xb] =	wrdreg s15  }
0x13: {  	s22 =	simm.s32 $0x23C0;
	s18 =	sadd.s32 $0x8200, s1;
	[dreg:$0xc] =	wrdreg s16  }
0x14: {  	s3 =	sadd.s32 $0xF50000, s3;
	s19 =	sadd.s32 $0x8F00, s1;
	[dreg:$0xd] =	wrdreg s18  }
0x15: {  	s0 =	smax.u32 s0, $0x1;
	s20 =	sadd.s32 $0x9C00, s1;
	[dreg:$0xe] =	wrdreg s19  }
0x16: {  	s6 =	simm.s32 $0x5;
	s21 =	sadd.s32 $0xA900, s1;
	[dreg:$0xf] =	wrdreg s20  }
0x17: {  	p1 =	sne.s32 s0, $0x1;
	s24 =	sadd.s32 $0xB600, s1;
	[dreg:$0x10] =	wrdreg s21  }
0x18: {  	s1 =	sadd.s32 $0xC300, s1;
	s9 =	simm.s32 $0x16C00;
	[dreg:$0x11] =	wrdreg s24  }
0x19: {  	s5 =	simm.s32 $0x7;
	[dreg:$0x12] =	wrdreg s1;
	s15 =	simm.s32 $0x3400  }
.Ltmp0:
0x1a: {  	s12 =	simm.s32 $0x9C00;
	s16 =	simm.s32 $0x1;
	(pc) =	sbr.rel @!p1 .LBB2_1-.Ltmp0, $4  }
0x1b: {  	s10 =	simm.s32 $0x10400;
	s14 =	simm.s32 $0x2;
	s13 =	simm.s32 $0x3  }
0x1c: {  	s11 =	simm.s32 $0x4;
	s4 =	simm.s32 $0x8;
	s1 =	sadd.s32 $0xFFFFFFFF, s0  }
0x1d: {  	s24 =	simm.s32 $0x2080;
	s21 =	simm.s32 $0x2700;
	s20 =	simm.s32 $0x2A40  }
0x1e: {  	s19 =	simm.s32 $0x2D80;
	s18 =	simm.s32 $0x30C0;
	s0 =	rddreg [dreg:$0x3]  }
0x1f: {  	[tilespmem:s2], [sflag:$0x9] =	stream.linear.gather [hbm4b:s0+s2], $0x3400, $0x38;
	[tilespmem:$0x1D400] =	vst v63  }
0x20: {  	_ =	swait.ge [sflag:s31], $0x3400  }
0x21: {  	[sflag:s31] =	ssyncset.done $0x0  }
0x22: {  	[sflag:s31] =	ssyncadd.s32 $0xFFFFCC00  }
0x23: {  	[tilespmem:s15], [sflag:$0x1] =	stream.indirect.gather [hbm4b:s3+s8], $0x20, s2, s8, $0xb8;
	[tilespmem:$0x1D400] =	vst v63  }
0x24: {  	_ = 	snop  }
0x25: {  	[tilespmem:s12], [sflag:$0x2] =	stream.indirect.gather [hbm4b:s3+s8], $0x20, s8, s8, $0xb8;
	[tilespmem:$0x1D400] =	vst v63  }
0x26: {  	_ =	swait.ge [sflag:s16], $0x6800  }
0x27: {  	[sflag:s16] =	ssyncset.done $0x0  }
0x28: {  	[sflag:s16] =	ssyncadd.s32 $0xFFFF9800  }
0x29: {  	[hbm4b:s23+s2] =	stream.linear.scatter [tilespmem:s15], [sflag:$0x5], $0x6800, $0x38;
	[tilespmem:$0x1D400] =	vst v63  }
0x2a: {  	s17 =	rddreg [dreg:$0x13]  }
0x2b: {  	[tilespmem:s10], [sflag:$0x3] =	stream.indirect.gather [hbm4b:s3+s8], $0x20, s17, s8, $0xb8;
	[tilespmem:$0x1D400] =	vst v63  }
0x2c: {  	_ =	swait.ge [sflag:s14], $0x6800  }
0x2d: {  	[sflag:s14] =	ssyncset.done $0x0  }
0x2e: {  	s0 =	rddreg [dreg:$0x4];
	[sflag:s14] =	ssyncadd.s32 $0xFFFF9800  }
0x2f: {  	[hbm4b:s0+s2] =	stream.linear.scatter [tilespmem:s12], [sflag:$0x6], $0x6800, $0x38;
	[tilespmem:$0x1D400] =	vst v63  }
0x30: {  	s17 =	smov.u32 s1;
	s1 =	rddreg [dreg:$0x14]  }
0x31: {  	[tilespmem:s9], [sflag:$0x4] =	stream.indirect.gather [hbm4b:s3+s8], $0x20, s1, s8, $0xb8;
	[tilespmem:$0x1D400] =	vst v63  }
0x32: {  	_ =	swait.ge [sflag:s13], $0x6800  }
0x33: {  	[sflag:s13] =	ssyncset.done $0x0  }
0x34: {  	s1 =	rddreg [dreg:$0x5];
	[sflag:s13] =	ssyncadd.s32 $0xFFFF9800  }
0x35: {  	[hbm4b:s1+s2] =	stream.linear.scatter [tilespmem:s10], [sflag:$0x7], $0x6800, $0x38;
	[tilespmem:$0x1D400] =	vst v63  }
0x36: {  	_ =	swait.ge [sflag:s6], $0x6800  }
0x37: {  	[sflag:s6] =	ssyncset.done $0x0  }
0x38: {  	s1 =	simm.s32 $0xD00;
	[sflag:s6] =	ssyncadd.s32 $0xFFFF9800  }
0x39: {  	[tilespmem:s15], [sflag:$0x1] =	stream.indirect.gather [hbm4b:s3+s8], $0x20, s1, s8, $0xb8;
	[tilespmem:$0x1D400] =	vst v63  }
0x3a: {  	_ =	swait.ge [sflag:s11], $0x6800  }
0x3b: {  	[sflag:s11] =	ssyncset.done $0x0  }
0x3c: {  	s1 =	rddreg [dreg:$0x6];
	[sflag:s11] =	ssyncadd.s32 $0xFFFF9800  }
0x3d: {  	[hbm4b:s1+s2] =	stream.linear.scatter [tilespmem:s9], [sflag:$0x8], $0x6800, $0x38;
	[tilespmem:$0x1D400] =	vst v63  }
0x3e: {  	_ =	swait.ge [sflag:s7], $0x6800  }
0x3f: {  	[sflag:s7] =	ssyncset.done $0x0  }
0x40: {  	[sflag:s7] =	ssyncadd.s32 $0xFFFF9800  }
0x41: {  	[tilespmem:s12], [sflag:$0x2] =	stream.indirect.gather [hbm4b:s3+s8], $0x20, s30, s8, $0xb8;
	[tilespmem:$0x1D400] =	vst v63  }
0x42: {  	_ =	swait.ge [sflag:s16], $0x6800  }
0x43: {  	[sflag:s16] =	ssyncset.done $0x0  }
0x44: {  	s1 =	rddreg [dreg:$0x7];
	[sflag:s16] =	ssyncadd.s32 $0xFFFF9800  }
0x45: {  	[hbm4b:s1+s2] =	stream.linear.scatter [tilespmem:s15], [sflag:$0x5], $0x6800, $0x38;
	[tilespmem:$0x1D400] =	vst v63  }
0x46: {  	_ =	swait.ge [sflag:s5], $0x6800  }
0x47: {  	[sflag:s5] =	ssyncset.done $0x0  }
0x48: {  	[sflag:s5] =	ssyncadd.s32 $0xFFFF9800  }
0x49: {  	[tilespmem:s10], [sflag:$0x3] =	stream.indirect.gather [hbm4b:s3+s8], $0x20, s29, s8, $0xb8;
	[tilespmem:$0x1D400] =	vst v63  }
0x4a: {  	_ =	swait.ge [sflag:s14], $0x6800  }
0x4b: {  	[sflag:s14] =	ssyncset.done $0x0  }
0x4c: {  	s1 =	rddreg [dreg:$0x8];
	[sflag:s14] =	ssyncadd.s32 $0xFFFF9800  }
0x4d: {  	[hbm4b:s1+s2] =	stream.linear.scatter [tilespmem:s12], [sflag:$0x6], $0x6800, $0x38;
	[tilespmem:$0x1D400] =	vst v63  }
0x4e: {  	_ =	swait.ge [sflag:s4], $0x6800  }
0x4f: {  	[sflag:s4] =	ssyncset.done $0x0  }
0x50: {  	[sflag:s4] =	ssyncadd.s32 $0xFFFF9800  }
0x51: {  	[tilespmem:s9], [sflag:$0x4] =	stream.indirect.gather [hbm4b:s3+s8], $0x20, s28, s8, $0xb8;
	[tilespmem:$0x1D400] =	vst v63  }
0x52: {  	_ =	swait.ge [sflag:s13], $0x6800  }
0x53: {  	[sflag:s13] =	ssyncset.done $0x0  }
0x54: {  	s1 =	rddreg [dreg:$0x9];
	[sflag:s13] =	ssyncadd.s32 $0xFFFF9800  }
0x55: {  	[hbm4b:s1+s2] =	stream.linear.scatter [tilespmem:s10], [sflag:$0x7], $0x6800, $0x38;
	[tilespmem:$0x1D400] =	vst v63  }
0x56: {  	_ =	swait.ge [sflag:s6], $0x6800  }
0x57: {  	[sflag:s6] =	ssyncset.done $0x0  }
0x58: {  	[sflag:s6] =	ssyncadd.s32 $0xFFFF9800  }
0x59: {  	[tilespmem:s15], [sflag:$0x1] =	stream.indirect.gather [hbm4b:s3+s8], $0x20, s26, s8, $0xb8;
	[tilespmem:$0x1D400] =	vst v63  }
0x5a: {  	_ =	swait.ge [sflag:s11], $0x6800  }
0x5b: {  	[sflag:s11] =	ssyncset.done $0x0  }
0x5c: {  	s1 =	rddreg [dreg:$0xa];
	[sflag:s11] =	ssyncadd.s32 $0xFFFF9800  }
0x5d: {  	[hbm4b:s1+s2] =	stream.linear.scatter [tilespmem:s9], [sflag:$0x8], $0x6800, $0x38;
	[tilespmem:$0x1D400] =	vst v63  }
0x5e: {  	_ =	swait.ge [sflag:s7], $0x6800  }
0x5f: {  	[sflag:s7] =	ssyncset.done $0x0  }
0x60: {  	[sflag:s7] =	ssyncadd.s32 $0xFFFF9800  }
0x61: {  	[tilespmem:s12], [sflag:$0x2] =	stream.indirect.gather [hbm4b:s3+s8], $0x20, s25, s8, $0xb8;
	[tilespmem:$0x1D400] =	vst v63  }
0x62: {  	_ =	swait.ge [sflag:s16], $0x6800  }
0x63: {  	[sflag:s16] =	ssyncset.done $0x0  }
0x64: {  	s1 =	rddreg [dreg:$0xb];
	[sflag:s16] =	ssyncadd.s32 $0xFFFF9800  }
0x65: {  	[hbm4b:s1+s2] =	stream.linear.scatter [tilespmem:s15], [sflag:$0x5], $0x6800, $0x38;
	[tilespmem:$0x1D400] =	vst v63  }
0x66: {  	_ =	swait.ge [sflag:s5], $0x6800  }
0x67: {  	[sflag:s5] =	ssyncset.done $0x0  }
0x68: {  	[sflag:s5] =	ssyncadd.s32 $0xFFFF9800  }
0x69: {  	[tilespmem:s10], [sflag:$0x3] =	stream.indirect.gather [hbm4b:s3+s8], $0x20, s24, s8, $0xb8;
	[tilespmem:$0x1D400] =	vst v63  }
0x6a: {  	_ =	swait.ge [sflag:s14], $0x6800  }
0x6b: {  	[sflag:s14] =	ssyncset.done $0x0  }
0x6c: {  	s1 =	rddreg [dreg:$0xc];
	[sflag:s14] =	ssyncadd.s32 $0xFFFF9800  }
0x6d: {  	[hbm4b:s1+s2] =	stream.linear.scatter [tilespmem:s12], [sflag:$0x6], $0x6800, $0x38;
	[tilespmem:$0x1D400] =	vst v63  }
0x6e: {  	_ =	swait.ge [sflag:s4], $0x6800  }
0x6f: {  	[sflag:s4] =	ssyncset.done $0x0  }
0x70: {  	[sflag:s4] =	ssyncadd.s32 $0xFFFF9800  }
0x71: {  	[tilespmem:s9], [sflag:$0x4] =	stream.indirect.gather [hbm4b:s3+s8], $0x20, s22, s8, $0xb8;
	[tilespmem:$0x1D400] =	vst v63  }
0x72: {  	_ =	swait.ge [sflag:s13], $0x6800  }
0x73: {  	[sflag:s13] =	ssyncset.done $0x0  }
0x74: {  	s1 =	rddreg [dreg:$0xd];
	[sflag:s13] =	ssyncadd.s32 $0xFFFF9800  }
0x75: {  	[hbm4b:s1+s2] =	stream.linear.scatter [tilespmem:s10], [sflag:$0x7], $0x6800, $0x38;
	[tilespmem:$0x1D400] =	vst v63  }
0x76: {  	_ =	swait.ge [sflag:s6], $0x6800  }
0x77: {  	[sflag:s6] =	ssyncset.done $0x0  }
0x78: {  	[sflag:s6] =	ssyncadd.s32 $0xFFFF9800  }
0x79: {  	[tilespmem:s15], [sflag:$0x1] =	stream.indirect.gather [hbm4b:s3+s8], $0x20, s21, s8, $0xb8;
	[tilespmem:$0x1D400] =	vst v63  }
0x7a: {  	_ =	swait.ge [sflag:s11], $0x6800  }
0x7b: {  	[sflag:s11] =	ssyncset.done $0x0  }
0x7c: {  	s1 =	rddreg [dreg:$0xe];
	[sflag:s11] =	ssyncadd.s32 $0xFFFF9800  }
0x7d: {  	[hbm4b:s1+s2] =	stream.linear.scatter [tilespmem:s9], [sflag:$0x8], $0x6800, $0x38;
	[tilespmem:$0x1D400] =	vst v63  }
0x7e: {  	_ =	swait.ge [sflag:s7], $0x6800  }
0x7f: {  	[sflag:s7] =	ssyncset.done $0x0  }
0x80: {  	[sflag:s7] =	ssyncadd.s32 $0xFFFF9800  }
0x81: {  	[tilespmem:s12], [sflag:$0x2] =	stream.indirect.gather [hbm4b:s3+s8], $0x20, s20, s8, $0xb8;
	[tilespmem:$0x1D400] =	vst v63  }
0x82: {  	_ =	swait.ge [sflag:s16], $0x6800  }
0x83: {  	[sflag:s16] =	ssyncset.done $0x0  }
0x84: {  	s1 =	rddreg [dreg:$0xf];
	[sflag:s16] =	ssyncadd.s32 $0xFFFF9800  }
0x85: {  	[hbm4b:s1+s2] =	stream.linear.scatter [tilespmem:s15], [sflag:$0x5], $0x6800, $0x38;
	[tilespmem:$0x1D400] =	vst v63  }
0x86: {  	_ =	swait.ge [sflag:s5], $0x6800  }
0x87: {  	[sflag:s5] =	ssyncset.done $0x0  }
0x88: {  	[sflag:s5] =	ssyncadd.s32 $0xFFFF9800  }
0x89: {  	[tilespmem:s10], [sflag:$0x3] =	stream.indirect.gather [hbm4b:s3+s8], $0x20, s19, s8, $0xb8;
	[tilespmem:$0x1D400] =	vst v63  }
0x8a: {  	_ =	swait.ge [sflag:s14], $0x6800  }
0x8b: {  	[sflag:s14] =	ssyncset.done $0x0  }
0x8c: {  	s1 =	rddreg [dreg:$0x10];
	[sflag:s14] =	ssyncadd.s32 $0xFFFF9800  }
0x8d: {  	[hbm4b:s1+s2] =	stream.linear.scatter [tilespmem:s12], [sflag:$0x6], $0x6800, $0x38;
	[tilespmem:$0x1D400] =	vst v63  }
0x8e: {  	_ =	swait.ge [sflag:s4], $0x6800  }
0x8f: {  	[sflag:s4] =	ssyncset.done $0x0  }
0x90: {  	[sflag:s4] =	ssyncadd.s32 $0xFFFF9800  }
0x91: {  	[tilespmem:s9], [sflag:$0x4] =	stream.indirect.gather [hbm4b:s3+s8], $0x20, s18, s8, $0xb8;
	[tilespmem:$0x1D400] =	vst v63  }
0x92: {  	_ =	swait.ge [sflag:s13], $0x6800  }
0x93: {  	[sflag:s13] =	ssyncset.done $0x0  }
0x94: {  	s1 =	rddreg [dreg:$0x11];
	[sflag:s13] =	ssyncadd.s32 $0xFFFF9800  }
0x95: {  	[hbm4b:s1+s2] =	stream.linear.scatter [tilespmem:s10], [sflag:$0x7], $0x6800, $0x38;
	[tilespmem:$0x1D400] =	vst v63  }
0x96: {  	_ =	swait.ge [sflag:s11], $0x6800  }
0x97: {  	[sflag:s11] =	ssyncset.done $0x0  }
0x98: {  	s1 =	rddreg [dreg:$0x12];
	[sflag:s11] =	ssyncadd.s32 $0xFFFF9800  }
0x99: {  	[hbm4b:s1+s2] =	stream.linear.scatter [tilespmem:s9], [sflag:$0x8], $0x6800, $0x38;
	[tilespmem:$0x1D400] =	vst v63  }
0x9a: {  	_ =	swait.ge [sflag:s6], $0x6800  }
0x9b: {  	[sflag:s6] =	ssyncset.done $0x0  }
0x9c: {  	[sflag:s6] =	ssyncadd.s32 $0xFFFF9800  }
0x9d: {  	_ =	swait.ge [sflag:s7], $0x6800  }
0x9e: {  	[sflag:s7] =	ssyncset.done $0x0  }
0x9f: {  	p1 =	sne.s32 s17, $0x1;
	[sflag:s7] =	ssyncadd.s32 $0xFFFF9800  }
.Ltmp1:
0xa0: {  	_ =	swait.ge [sflag:s5], $0x6800;
	(pc) =	sbr.rel @!p1 .LBB2_3-.Ltmp1, $4  }
0xa1: {  	[sflag:s5] =	ssyncset.done $0x0  }
0xa2: {  	[sflag:s5] =	ssyncadd.s32 $0xFFFF9800  }
0xa3: {  	p0 =	por $0x1, $0x1;
	_ =	swait.ge [sflag:s4], $0x6800  }
0xa4: {  	s1 =	sadd.s32 $0xFFFFFFFF, s17;
	s0 =	rddreg [dreg:$0x3];
	[sflag:s4] =	ssyncset.done $0x0  }
.LBB2_4:
0xa5: {  	[sflag:s4] =	ssyncadd.s32 $0xFFFF9800  }
0xa6: {  	[tilespmem:s2], [sflag:$0x9] =	stream.linear.gather [hbm4b:s0+s2], $0x3400, $0x38;
	[tilespmem:$0x1D400] =	vst v63  }
0xa7: {  	_ =	swait.ge [sflag:s31], $0x3400  }
0xa8: {  	[sflag:s31] =	ssyncset.done $0x0  }
0xa9: {  	[sflag:s31] =	ssyncadd.s32 $0xFFFFCC00  }
0xaa: {  	[tilespmem:s15], [sflag:$0x1] =	stream.indirect.gather [hbm4b:s3+s8], $0x20, s2, s8, $0xb8;
	[tilespmem:$0x1D400] =	vst v63  }
0xab: {  	_ = 	snop  }
0xac: {  	[tilespmem:s12], [sflag:$0x2] =	stream.indirect.gather [hbm4b:s3+s8], $0x20, s8, s8, $0xb8;
	[tilespmem:$0x1D400] =	vst v63  }
0xad: {  	_ =	swait.ge [sflag:s16], $0x6800  }
0xae: {  	[sflag:s16] =	ssyncset.done $0x0  }
0xaf: {  	[sflag:s16] =	ssyncadd.s32 $0xFFFF9800  }
0xb0: {  	[hbm4b:s23+s2] =	stream.linear.scatter [tilespmem:s15], [sflag:$0x5], $0x6800, $0x38;
	[tilespmem:$0x1D400] =	vst v63  }
0xb1: {  	s17 =	rddreg [dreg:$0x13]  }
0xb2: {  	[tilespmem:s10], [sflag:$0x3] =	stream.indirect.gather [hbm4b:s3+s8], $0x20, s17, s8, $0xb8;
	[tilespmem:$0x1D400] =	vst v63  }
0xb3: {  	_ =	swait.ge [sflag:s14], $0x6800  }
0xb4: {  	[sflag:s14] =	ssyncset.done $0x0  }
0xb5: {  	s0 =	rddreg [dreg:$0x4];
	[sflag:s14] =	ssyncadd.s32 $0xFFFF9800  }
0xb6: {  	[hbm4b:s0+s2] =	stream.linear.scatter [tilespmem:s12], [sflag:$0x6], $0x6800, $0x38;
	[tilespmem:$0x1D400] =	vst v63  }
0xb7: {  	s17 =	rddreg [dreg:$0x14]  }
0xb8: {  	[tilespmem:s9], [sflag:$0x4] =	stream.indirect.gather [hbm4b:s3+s8], $0x20, s17, s8, $0xb8;
	[tilespmem:$0x1D400] =	vst v63  }
0xb9: {  	_ =	swait.ge [sflag:s13], $0x6800  }
0xba: {  	[sflag:s13] =	ssyncset.done $0x0  }
0xbb: {  	s17 =	rddreg [dreg:$0x5];
	[sflag:s13] =	ssyncadd.s32 $0xFFFF9800  }
0xbc: {  	[hbm4b:s17+s2] =	stream.linear.scatter [tilespmem:s10], [sflag:$0x7], $0x6800, $0x38;
	[tilespmem:$0x1D400] =	vst v63  }
0xbd: {  	_ =	swait.ge [sflag:s6], $0x6800  }
0xbe: {  	[sflag:s6] =	ssyncset.done $0x0  }
0xbf: {  	s17 =	simm.s32 $0xD00;
	[sflag:s6] =	ssyncadd.s32 $0xFFFF9800  }
0xc0: {  	[tilespmem:s15], [sflag:$0x1] =	stream.indirect.gather [hbm4b:s3+s8], $0x20, s17, s8, $0xb8;
	[tilespmem:$0x1D400] =	vst v63  }
0xc1: {  	_ =	swait.ge [sflag:s11], $0x6800  }
0xc2: {  	[sflag:s11] =	ssyncset.done $0x0  }
0xc3: {  	s17 =	rddreg [dreg:$0x6];
	[sflag:s11] =	ssyncadd.s32 $0xFFFF9800  }
0xc4: {  	[hbm4b:s17+s2] =	stream.linear.scatter [tilespmem:s9], [sflag:$0x8], $0x6800, $0x38;
	[tilespmem:$0x1D400] =	vst v63  }
0xc5: {  	_ =	swait.ge [sflag:s7], $0x6800  }
0xc6: {  	[sflag:s7] =	ssyncset.done $0x0  }
0xc7: {  	[sflag:s7] =	ssyncadd.s32 $0xFFFF9800  }
0xc8: {  	[tilespmem:s12], [sflag:$0x2] =	stream.indirect.gather [hbm4b:s3+s8], $0x20, s30, s8, $0xb8;
	[tilespmem:$0x1D400] =	vst v63  }
0xc9: {  	_ =	swait.ge [sflag:s16], $0x6800  }
0xca: {  	[sflag:s16] =	ssyncset.done $0x0  }
0xcb: {  	s17 =	rddreg [dreg:$0x7];
	[sflag:s16] =	ssyncadd.s32 $0xFFFF9800  }
0xcc: {  	[hbm4b:s17+s2] =	stream.linear.scatter [tilespmem:s15], [sflag:$0x5], $0x6800, $0x38;
	[tilespmem:$0x1D400] =	vst v63  }
0xcd: {  	_ =	swait.ge [sflag:s5], $0x6800  }
0xce: {  	[sflag:s5] =	ssyncset.done $0x0  }
0xcf: {  	[sflag:s5] =	ssyncadd.s32 $0xFFFF9800  }
0xd0: {  	[tilespmem:s10], [sflag:$0x3] =	stream.indirect.gather [hbm4b:s3+s8], $0x20, s29, s8, $0xb8;
	[tilespmem:$0x1D400] =	vst v63  }
0xd1: {  	_ =	swait.ge [sflag:s14], $0x6800  }
0xd2: {  	[sflag:s14] =	ssyncset.done $0x0  }
0xd3: {  	s17 =	rddreg [dreg:$0x8];
	[sflag:s14] =	ssyncadd.s32 $0xFFFF9800  }
0xd4: {  	[hbm4b:s17+s2] =	stream.linear.scatter [tilespmem:s12], [sflag:$0x6], $0x6800, $0x38;
	[tilespmem:$0x1D400] =	vst v63  }
0xd5: {  	_ =	swait.ge [sflag:s4], $0x6800  }
0xd6: {  	[sflag:s4] =	ssyncset.done $0x0  }
0xd7: {  	[sflag:s4] =	ssyncadd.s32 $0xFFFF9800  }
0xd8: {  	[tilespmem:s9], [sflag:$0x4] =	stream.indirect.gather [hbm4b:s3+s8], $0x20, s28, s8, $0xb8;
	[tilespmem:$0x1D400] =	vst v63  }
0xd9: {  	_ =	swait.ge [sflag:s13], $0x6800  }
0xda: {  	[sflag:s13] =	ssyncset.done $0x0  }
0xdb: {  	s17 =	rddreg [dreg:$0x9];
	[sflag:s13] =	ssyncadd.s32 $0xFFFF9800  }
0xdc: {  	[hbm4b:s17+s2] =	stream.linear.scatter [tilespmem:s10], [sflag:$0x7], $0x6800, $0x38;
	[tilespmem:$0x1D400] =	vst v63  }
0xdd: {  	_ =	swait.ge [sflag:s6], $0x6800  }
0xde: {  	[sflag:s6] =	ssyncset.done $0x0  }
0xdf: {  	[sflag:s6] =	ssyncadd.s32 $0xFFFF9800  }
0xe0: {  	[tilespmem:s15], [sflag:$0x1] =	stream.indirect.gather [hbm4b:s3+s8], $0x20, s26, s8, $0xb8;
	[tilespmem:$0x1D400] =	vst v63  }
0xe1: {  	_ =	swait.ge [sflag:s11], $0x6800  }
0xe2: {  	[sflag:s11] =	ssyncset.done $0x0  }
0xe3: {  	s17 =	rddreg [dreg:$0xa];
	[sflag:s11] =	ssyncadd.s32 $0xFFFF9800  }
0xe4: {  	[hbm4b:s17+s2] =	stream.linear.scatter [tilespmem:s9], [sflag:$0x8], $0x6800, $0x38;
	[tilespmem:$0x1D400] =	vst v63  }
0xe5: {  	_ =	swait.ge [sflag:s7], $0x6800  }
0xe6: {  	[sflag:s7] =	ssyncset.done $0x0  }
0xe7: {  	[sflag:s7] =	ssyncadd.s32 $0xFFFF9800  }
0xe8: {  	[tilespmem:s12], [sflag:$0x2] =	stream.indirect.gather [hbm4b:s3+s8], $0x20, s25, s8, $0xb8;
	[tilespmem:$0x1D400] =	vst v63  }
0xe9: {  	_ =	swait.ge [sflag:s16], $0x6800  }
0xea: {  	[sflag:s16] =	ssyncset.done $0x0  }
0xeb: {  	s17 =	rddreg [dreg:$0xb];
	[sflag:s16] =	ssyncadd.s32 $0xFFFF9800  }
0xec: {  	[hbm4b:s17+s2] =	stream.linear.scatter [tilespmem:s15], [sflag:$0x5], $0x6800, $0x38;
	[tilespmem:$0x1D400] =	vst v63  }
0xed: {  	_ =	swait.ge [sflag:s5], $0x6800  }
0xee: {  	[sflag:s5] =	ssyncset.done $0x0  }
0xef: {  	[sflag:s5] =	ssyncadd.s32 $0xFFFF9800  }
0xf0: {  	[tilespmem:s10], [sflag:$0x3] =	stream.indirect.gather [hbm4b:s3+s8], $0x20, s24, s8, $0xb8;
	[tilespmem:$0x1D400] =	vst v63  }
0xf1: {  	_ =	swait.ge [sflag:s14], $0x6800  }
0xf2: {  	[sflag:s14] =	ssyncset.done $0x0  }
0xf3: {  	s17 =	rddreg [dreg:$0xc];
	[sflag:s14] =	ssyncadd.s32 $0xFFFF9800  }
0xf4: {  	[hbm4b:s17+s2] =	stream.linear.scatter [tilespmem:s12], [sflag:$0x6], $0x6800, $0x38;
	[tilespmem:$0x1D400] =	vst v63  }
0xf5: {  	_ =	swait.ge [sflag:s4], $0x6800  }
0xf6: {  	[sflag:s4] =	ssyncset.done $0x0  }
0xf7: {  	[sflag:s4] =	ssyncadd.s32 $0xFFFF9800  }
0xf8: {  	[tilespmem:s9], [sflag:$0x4] =	stream.indirect.gather [hbm4b:s3+s8], $0x20, s22, s8, $0xb8;
	[tilespmem:$0x1D400] =	vst v63  }
0xf9: {  	_ =	swait.ge [sflag:s13], $0x6800  }
0xfa: {  	[sflag:s13] =	ssyncset.done $0x0  }
0xfb: {  	s17 =	rddreg [dreg:$0xd];
	[sflag:s13] =	ssyncadd.s32 $0xFFFF9800  }
0xfc: {  	[hbm4b:s17+s2] =	stream.linear.scatter [tilespmem:s10], [sflag:$0x7], $0x6800, $0x38;
	[tilespmem:$0x1D400] =	vst v63  }
0xfd: {  	_ =	swait.ge [sflag:s6], $0x6800  }
0xfe: {  	[sflag:s6] =	ssyncset.done $0x0  }
0xff: {  	[sflag:s6] =	ssyncadd.s32 $0xFFFF9800  }
0x100: {  	[tilespmem:s15], [sflag:$0x1] =	stream.indirect.gather [hbm4b:s3+s8], $0x20, s21, s8, $0xb8;
	[tilespmem:$0x1D400] =	vst v63  }
0x101: {  	_ =	swait.ge [sflag:s11], $0x6800  }
0x102: {  	[sflag:s11] =	ssyncset.done $0x0  }
0x103: {  	s17 =	rddreg [dreg:$0xe];
	[sflag:s11] =	ssyncadd.s32 $0xFFFF9800  }
0x104: {  	[hbm4b:s17+s2] =	stream.linear.scatter [tilespmem:s9], [sflag:$0x8], $0x6800, $0x38;
	[tilespmem:$0x1D400] =	vst v63  }
0x105: {  	_ =	swait.ge [sflag:s7], $0x6800  }
0x106: {  	[sflag:s7] =	ssyncset.done $0x0  }
0x107: {  	[sflag:s7] =	ssyncadd.s32 $0xFFFF9800  }
0x108: {  	[tilespmem:s12], [sflag:$0x2] =	stream.indirect.gather [hbm4b:s3+s8], $0x20, s20, s8, $0xb8;
	[tilespmem:$0x1D400] =	vst v63  }
0x109: {  	_ =	swait.ge [sflag:s16], $0x6800  }
0x10a: {  	[sflag:s16] =	ssyncset.done $0x0  }
0x10b: {  	s17 =	rddreg [dreg:$0xf];
	[sflag:s16] =	ssyncadd.s32 $0xFFFF9800  }
0x10c: {  	[hbm4b:s17+s2] =	stream.linear.scatter [tilespmem:s15], [sflag:$0x5], $0x6800, $0x38;
	[tilespmem:$0x1D400] =	vst v63  }
0x10d: {  	_ =	swait.ge [sflag:s5], $0x6800  }
0x10e: {  	[sflag:s5] =	ssyncset.done $0x0  }
0x10f: {  	[sflag:s5] =	ssyncadd.s32 $0xFFFF9800  }
0x110: {  	[tilespmem:s10], [sflag:$0x3] =	stream.indirect.gather [hbm4b:s3+s8], $0x20, s19, s8, $0xb8;
	[tilespmem:$0x1D400] =	vst v63  }
0x111: {  	_ =	swait.ge [sflag:s14], $0x6800  }
0x112: {  	[sflag:s14] =	ssyncset.done $0x0  }
0x113: {  	s17 =	rddreg [dreg:$0x10];
	[sflag:s14] =	ssyncadd.s32 $0xFFFF9800  }
0x114: {  	[hbm4b:s17+s2] =	stream.linear.scatter [tilespmem:s12], [sflag:$0x6], $0x6800, $0x38;
	[tilespmem:$0x1D400] =	vst v63  }
0x115: {  	_ =	swait.ge [sflag:s4], $0x6800  }
0x116: {  	[sflag:s4] =	ssyncset.done $0x0  }
0x117: {  	[sflag:s4] =	ssyncadd.s32 $0xFFFF9800  }
0x118: {  	[tilespmem:s9], [sflag:$0x4] =	stream.indirect.gather [hbm4b:s3+s8], $0x20, s18, s8, $0xb8;
	[tilespmem:$0x1D400] =	vst v63  }
0x119: {  	_ =	swait.ge [sflag:s13], $0x6800  }
0x11a: {  	[sflag:s13] =	ssyncset.done $0x0  }
0x11b: {  	s17 =	rddreg [dreg:$0x11];
	[sflag:s13] =	ssyncadd.s32 $0xFFFF9800  }
0x11c: {  	[hbm4b:s17+s2] =	stream.linear.scatter [tilespmem:s10], [sflag:$0x7], $0x6800, $0x38;
	[tilespmem:$0x1D400] =	vst v63  }
0x11d: {  	_ =	swait.ge [sflag:s11], $0x6800  }
0x11e: {  	[sflag:s11] =	ssyncset.done $0x0  }
0x11f: {  	s17 =	rddreg [dreg:$0x12];
	[sflag:s11] =	ssyncadd.s32 $0xFFFF9800  }
0x120: {  	[hbm4b:s17+s2] =	stream.linear.scatter [tilespmem:s9], [sflag:$0x8], $0x6800, $0x38;
	[tilespmem:$0x1D400] =	vst v63  }
0x121: {  	_ =	swait.ge [sflag:s6], $0x6800  }
0x122: {  	[sflag:s6] =	ssyncset.done $0x0  }
0x123: {  	[sflag:s6] =	ssyncadd.s32 $0xFFFF9800  }
0x124: {  	_ =	swait.ge [sflag:s7], $0x6800  }
0x125: {  	[sflag:s7] =	ssyncset.done $0x0  }
0x126: {  	p1 =	sne.s32 s1, $0x1;
	[sflag:s7] =	ssyncadd.s32 $0xFFFF9800  }
.Ltmp2:
0x127: {  	_ =	swait.ge [sflag:s5], $0x6800;
	(pc) =	sbr.rel @p1 .LBB2_4-.Ltmp2, $4  }
0x128: {  	[sflag:s5] =	ssyncset.done $0x0  }
0x129: {  	[sflag:s5] =	ssyncadd.s32 $0xFFFF9800  }
0x12a: {  	_ =	swait.ge [sflag:s4], $0x6800  }
0x12b: {  	s1 =	sadd.s32 $0xFFFFFFFF, s1;
	s0 =	rddreg [dreg:$0x3];
	[sflag:s4] =	ssyncset.done $0x0  }
0x12c: {  	s18 =	simm.s32 $0xD00;
	s30 =	simm.s32 $0x1040;
	s29 =	simm.s32 $0x1380  }
0x12d: {  	s28 =	simm.s32 $0x16C0;
	s26 =	simm.s32 $0x1A00;
	s25 =	simm.s32 $0x1D40  }
0x12e: {  	s24 =	simm.s32 $0x2080;
	s22 =	simm.s32 $0x23C0;
	s21 =	simm.s32 $0x2700  }
0x12f: {  	s20 =	simm.s32 $0x2A40;
	s19 =	simm.s32 $0x2D80;
	s17 =	stileid.u32  }
.LBB2_6:
0x130: {  	[sflag:s4] =	ssyncadd.s32 @p0 $0xFFFF9800  }
0x131: {  	[tilespmem:s2], [sflag:$0x9] =	stream.linear.gather [hbm4b:s0+s2], $0x3400, $0x38;
	[tilespmem:$0x1D400] =	vst v63  }
0x132: {  	_ =	swait.ge [sflag:s31], $0x3400  }
0x133: {  	[sflag:s31] =	ssyncset.done $0x0  }
0x134: {  	[sflag:s31] =	ssyncadd.s32 $0xFFFFCC00  }
0x135: {  	[tilespmem:s15], [sflag:$0x1] =	stream.indirect.gather [hbm4b:s3+s8], $0x20, s2, s8, $0xb8;
	[tilespmem:$0x1D400] =	vst v63  }
0x136: {  	_ = 	snop  }
0x137: {  	[tilespmem:s12], [sflag:$0x2] =	stream.indirect.gather [hbm4b:s3+s8], $0x20, s8, s8, $0xb8;
	[tilespmem:$0x1D400] =	vst v63  }
0x138: {  	_ =	swait.ge [sflag:s16], $0x6800  }
0x139: {  	[sflag:s16] =	ssyncset.done $0x0  }
0x13a: {  	[sflag:s16] =	ssyncadd.s32 $0xFFFF9800  }
0x13b: {  	[hbm4b:s23+s2] =	stream.linear.scatter [tilespmem:s15], [sflag:$0x5], $0x6800, $0x38;
	[tilespmem:$0x1D400] =	vst v63  }
0x13c: {  	s1 =	rddreg [dreg:$0x13]  }
0x13d: {  	[tilespmem:s10], [sflag:$0x3] =	stream.indirect.gather [hbm4b:s3+s8], $0x20, s1, s8, $0xb8;
	[tilespmem:$0x1D400] =	vst v63  }
0x13e: {  	_ =	swait.ge [sflag:s14], $0x6800  }
0x13f: {  	[sflag:s14] =	ssyncset.done $0x0  }
0x140: {  	s31 =	rddreg [dreg:$0x4];
	[sflag:s14] =	ssyncadd.s32 $0xFFFF9800  }
0x141: {  	[hbm4b:s31+s2] =	stream.linear.scatter [tilespmem:s12], [sflag:$0x6], $0x6800, $0x38;
	[tilespmem:$0x1D400] =	vst v63  }
0x142: {  	s1 =	rddreg [dreg:$0x14]  }
0x143: {  	[tilespmem:s9], [sflag:$0x4] =	stream.indirect.gather [hbm4b:s3+s8], $0x20, s1, s8, $0xb8;
	[tilespmem:$0x1D400] =	vst v63  }
0x144: {  	_ =	swait.ge [sflag:s13], $0x6800  }
0x145: {  	[sflag:s13] =	ssyncset.done $0x0  }
0x146: {  	s1 =	rddreg [dreg:$0x5];
	[sflag:s13] =	ssyncadd.s32 $0xFFFF9800  }
0x147: {  	[hbm4b:s1+s2] =	stream.linear.scatter [tilespmem:s10], [sflag:$0x7], $0x6800, $0x38;
	[tilespmem:$0x1D400] =	vst v63  }
0x148: {  	_ =	swait.ge [sflag:s6], $0x6800  }
0x149: {  	[sflag:s6] =	ssyncset.done $0x0  }
0x14a: {  	[sflag:s6] =	ssyncadd.s32 $0xFFFF9800  }
0x14b: {  	[tilespmem:s15], [sflag:$0x1] =	stream.indirect.gather [hbm4b:s3+s8], $0x20, s18, s8, $0xb8;
	[tilespmem:$0x1D400] =	vst v63  }
0x14c: {  	_ =	swait.ge [sflag:s11], $0x6800  }
0x14d: {  	[sflag:s11] =	ssyncset.done $0x0  }
0x14e: {  	s18 =	rddreg [dreg:$0x6];
	[sflag:s11] =	ssyncadd.s32 $0xFFFF9800  }
0x14f: {  	[hbm4b:s18+s2] =	stream.linear.scatter [tilespmem:s9], [sflag:$0x8], $0x6800, $0x38;
	[tilespmem:$0x1D400] =	vst v63  }
0x150: {  	_ =	swait.ge [sflag:s7], $0x6800  }
0x151: {  	[sflag:s7] =	ssyncset.done $0x0  }
0x152: {  	[sflag:s7] =	ssyncadd.s32 $0xFFFF9800  }
0x153: {  	[tilespmem:s12], [sflag:$0x2] =	stream.indirect.gather [hbm4b:s3+s8], $0x20, s30, s8, $0xb8;
	[tilespmem:$0x1D400] =	vst v63  }
0x154: {  	_ =	swait.ge [sflag:s16], $0x6800  }
0x155: {  	[sflag:s16] =	ssyncset.done $0x0  }
0x156: {  	s23 =	rddreg [dreg:$0x7];
	[sflag:s16] =	ssyncadd.s32 $0xFFFF9800  }
0x157: {  	[hbm4b:s23+s2] =	stream.linear.scatter [tilespmem:s15], [sflag:$0x5], $0x6800, $0x38;
	[tilespmem:$0x1D400] =	vst v63  }
0x158: {  	_ =	swait.ge [sflag:s5], $0x6800  }
0x159: {  	[sflag:s5] =	ssyncset.done $0x0  }
0x15a: {  	[sflag:s5] =	ssyncadd.s32 $0xFFFF9800  }
0x15b: {  	[tilespmem:s10], [sflag:$0x3] =	stream.indirect.gather [hbm4b:s3+s8], $0x20, s29, s8, $0xb8;
	[tilespmem:$0x1D400] =	vst v63  }
0x15c: {  	_ =	swait.ge [sflag:s14], $0x6800  }
0x15d: {  	[sflag:s14] =	ssyncset.done $0x0  }
0x15e: {  	s30 =	rddreg [dreg:$0x8];
	[sflag:s14] =	ssyncadd.s32 $0xFFFF9800  }
0x15f: {  	[hbm4b:s30+s2] =	stream.linear.scatter [tilespmem:s12], [sflag:$0x6], $0x6800, $0x38;
	[tilespmem:$0x1D400] =	vst v63  }
0x160: {  	_ =	swait.ge [sflag:s4], $0x6800  }
0x161: {  	[sflag:s4] =	ssyncset.done $0x0  }
0x162: {  	[sflag:s4] =	ssyncadd.s32 $0xFFFF9800  }
0x163: {  	[tilespmem:s9], [sflag:$0x4] =	stream.indirect.gather [hbm4b:s3+s8], $0x20, s28, s8, $0xb8;
	[tilespmem:$0x1D400] =	vst v63  }
0x164: {  	_ =	swait.ge [sflag:s13], $0x6800  }
0x165: {  	[sflag:s13] =	ssyncset.done $0x0  }
0x166: {  	s31 =	rddreg [dreg:$0x9];
	[sflag:s13] =	ssyncadd.s32 $0xFFFF9800  }
0x167: {  	[hbm4b:s31+s2] =	stream.linear.scatter [tilespmem:s10], [sflag:$0x7], $0x6800, $0x38;
	[tilespmem:$0x1D400] =	vst v63  }
0x168: {  	_ =	swait.ge [sflag:s6], $0x6800  }
0x169: {  	[sflag:s6] =	ssyncset.done $0x0  }
0x16a: {  	[sflag:s6] =	ssyncadd.s32 $0xFFFF9800  }
0x16b: {  	[tilespmem:s15], [sflag:$0x1] =	stream.indirect.gather [hbm4b:s3+s8], $0x20, s26, s8, $0xb8;
	[tilespmem:$0x1D400] =	vst v63  }
0x16c: {  	_ =	swait.ge [sflag:s11], $0x6800  }
0x16d: {  	[sflag:s11] =	ssyncset.done $0x0  }
0x16e: {  	s1 =	rddreg [dreg:$0xa];
	[sflag:s11] =	ssyncadd.s32 $0xFFFF9800  }
0x16f: {  	[hbm4b:s1+s2] =	stream.linear.scatter [tilespmem:s9], [sflag:$0x8], $0x6800, $0x38;
	[tilespmem:$0x1D400] =	vst v63  }
0x170: {  	_ =	swait.ge [sflag:s7], $0x6800  }
0x171: {  	[sflag:s7] =	ssyncset.done $0x0  }
0x172: {  	[sflag:s7] =	ssyncadd.s32 $0xFFFF9800  }
0x173: {  	[tilespmem:s12], [sflag:$0x2] =	stream.indirect.gather [hbm4b:s3+s8], $0x20, s25, s8, $0xb8;
	[tilespmem:$0x1D400] =	vst v63  }
0x174: {  	_ =	swait.ge [sflag:s16], $0x6800  }
0x175: {  	[sflag:s16] =	ssyncset.done $0x0  }
0x176: {  	s18 =	rddreg [dreg:$0xb];
	[sflag:s16] =	ssyncadd.s32 $0xFFFF9800  }
0x177: {  	[hbm4b:s18+s2] =	stream.linear.scatter [tilespmem:s15], [sflag:$0x5], $0x6800, $0x38;
	[tilespmem:$0x1D400] =	vst v63  }
0x178: {  	_ =	swait.ge [sflag:s5], $0x6800  }
0x179: {  	[sflag:s5] =	ssyncset.done $0x0  }
0x17a: {  	[sflag:s5] =	ssyncadd.s32 $0xFFFF9800  }
0x17b: {  	[tilespmem:s10], [sflag:$0x3] =	stream.indirect.gather [hbm4b:s3+s8], $0x20, s24, s8, $0xb8;
	[tilespmem:$0x1D400] =	vst v63  }
0x17c: {  	_ =	swait.ge [sflag:s14], $0x6800  }
0x17d: {  	[sflag:s14] =	ssyncset.done $0x0  }
0x17e: {  	s23 =	rddreg [dreg:$0xc];
	[sflag:s14] =	ssyncadd.s32 $0xFFFF9800  }
0x17f: {  	[hbm4b:s23+s2] =	stream.linear.scatter [tilespmem:s12], [sflag:$0x6], $0x6800, $0x38;
	[tilespmem:$0x1D400] =	vst v63  }
0x180: {  	_ =	swait.ge [sflag:s4], $0x6800  }
0x181: {  	[sflag:s4] =	ssyncset.done $0x0  }
0x182: {  	[sflag:s4] =	ssyncadd.s32 $0xFFFF9800  }
0x183: {  	[tilespmem:s9], [sflag:$0x4] =	stream.indirect.gather [hbm4b:s3+s8], $0x20, s22, s8, $0xb8;
	[tilespmem:$0x1D400] =	vst v63  }
0x184: {  	_ =	swait.ge [sflag:s13], $0x6800  }
0x185: {  	[sflag:s13] =	ssyncset.done $0x0  }
0x186: {  	s24 =	rddreg [dreg:$0xd];
	[sflag:s13] =	ssyncadd.s32 $0xFFFF9800  }
0x187: {  	[hbm4b:s24+s2] =	stream.linear.scatter [tilespmem:s10], [sflag:$0x7], $0x6800, $0x38;
	[tilespmem:$0x1D400] =	vst v63  }
0x188: {  	_ =	swait.ge [sflag:s6], $0x6800  }
0x189: {  	[sflag:s6] =	ssyncset.done $0x0  }
0x18a: {  	[sflag:s6] =	ssyncadd.s32 $0xFFFF9800  }
0x18b: {  	[tilespmem:s15], [sflag:$0x1] =	stream.indirect.gather [hbm4b:s3+s8], $0x20, s21, s8, $0xb8;
	[tilespmem:$0x1D400] =	vst v63  }
0x18c: {  	_ =	swait.ge [sflag:s11], $0x6800  }
0x18d: {  	[sflag:s11] =	ssyncset.done $0x0  }
0x18e: {  	s25 =	rddreg [dreg:$0xe];
	[sflag:s11] =	ssyncadd.s32 $0xFFFF9800  }
0x18f: {  	[hbm4b:s25+s2] =	stream.linear.scatter [tilespmem:s9], [sflag:$0x8], $0x6800, $0x38;
	[tilespmem:$0x1D400] =	vst v63  }
0x190: {  	_ =	swait.ge [sflag:s7], $0x6800  }
0x191: {  	[sflag:s7] =	ssyncset.done $0x0  }
0x192: {  	[sflag:s7] =	ssyncadd.s32 $0xFFFF9800  }
0x193: {  	[tilespmem:s12], [sflag:$0x2] =	stream.indirect.gather [hbm4b:s3+s8], $0x20, s20, s8, $0xb8;
	[tilespmem:$0x1D400] =	vst v63  }
0x194: {  	_ =	swait.ge [sflag:s16], $0x6800  }
0x195: {  	[sflag:s16] =	ssyncset.done $0x0  }
0x196: {  	s26 =	rddreg [dreg:$0xf];
	[sflag:s16] =	ssyncadd.s32 $0xFFFF9800  }
0x197: {  	[hbm4b:s26+s2] =	stream.linear.scatter [tilespmem:s15], [sflag:$0x5], $0x6800, $0x38;
	[tilespmem:$0x1D400] =	vst v63  }
0x198: {  	_ =	swait.ge [sflag:s5], $0x6800  }
0x199: {  	[sflag:s5] =	ssyncset.done $0x0  }
0x19a: {  	[sflag:s5] =	ssyncadd.s32 $0xFFFF9800  }
0x19b: {  	[tilespmem:s10], [sflag:$0x3] =	stream.indirect.gather [hbm4b:s3+s8], $0x20, s19, s8, $0xb8;
	[tilespmem:$0x1D400] =	vst v63  }
0x19c: {  	_ =	swait.ge [sflag:s14], $0x6800  }
0x19d: {  	[sflag:s14] =	ssyncset.done $0x0  }
0x19e: {  	s28 =	rddreg [dreg:$0x10];
	[sflag:s14] =	ssyncadd.s32 $0xFFFF9800  }
0x19f: {  	[hbm4b:s28+s2] =	stream.linear.scatter [tilespmem:s12], [sflag:$0x6], $0x6800, $0x38;
	[tilespmem:$0x1D400] =	vst v63  }
0x1a0: {  	_ =	swait.ge [sflag:s4], $0x6800  }
0x1a1: {  	[sflag:s4] =	ssyncset.done $0x0  }
0x1a2: {  	s29 =	simm.s32 $0x30C0;
	[sflag:s4] =	ssyncadd.s32 $0xFFFF9800  }
0x1a3: {  	[tilespmem:s9], [sflag:$0x4] =	stream.indirect.gather [hbm4b:s3+s8], $0x20, s29, s8, $0xb8;
	[tilespmem:$0x1D400] =	vst v63  }
0x1a4: {  	_ =	swait.ge [sflag:s13], $0x6800  }
0x1a5: {  	[sflag:s13] =	ssyncset.done $0x0  }
0x1a6: {  	s30 =	rddreg [dreg:$0x11];
	[sflag:s13] =	ssyncadd.s32 $0xFFFF9800  }
0x1a7: {  	[hbm4b:s30+s2] =	stream.linear.scatter [tilespmem:s10], [sflag:$0x7], $0x6800, $0x38;
	[tilespmem:$0x1D400] =	vst v63  }
0x1a8: {  	_ =	swait.ge [sflag:s11], $0x6800  }
0x1a9: {  	[sflag:s11] =	ssyncset.done $0x0  }
0x1aa: {  	s31 =	rddreg [dreg:$0x12];
	[sflag:s11] =	ssyncadd.s32 $0xFFFF9800  }
0x1ab: {  	[hbm4b:s31+s2] =	stream.linear.scatter [tilespmem:s9], [sflag:$0x8], $0x6800, $0x38;
	[tilespmem:$0x1D400] =	vst v63  }
0x1ac: {  	_ =	swait.ge [sflag:s6], $0x6800  }
0x1ad: {  	[sflag:s6] =	ssyncset.done $0x0  }
0x1ae: {  	[sflag:s6] =	ssyncadd.s32 $0xFFFF9800  }
0x1af: {  	_ =	swait.ge [sflag:s7], $0x6800  }
0x1b0: {  	[sflag:s7] =	ssyncset.done $0x0  }
0x1b1: {  	[sflag:s7] =	ssyncadd.s32 $0xFFFF9800  }
0x1b2: {  	_ =	swait.ge [sflag:s5], $0x6800  }
0x1b3: {  	[sflag:s5] =	ssyncset.done $0x0  }
0x1b4: {  	[sflag:s5] =	ssyncadd.s32 $0xFFFF9800  }
0x1b5: {  	_ =	swait.ge [sflag:s4], $0x6800  }
0x1b6: {  	[sflag:s4] =	ssyncset.done $0x0  }
0x1b7: {  	[sflag:s4] =	ssyncadd.s32 $0xFFFF9800  }
0x1b8: {  	_ =	sfence.sel $0x180000  }
0x1b9: {  	[bflag:$0x0] =	sbarrier.arrive $0xFFFF  }
0x1ba: {  	_ =	strace $0x9000004A  }
0x1bb: {  	[bflag:$0x2] =	sbarrier.arrive $0xFFFF  }
0x1bc: {  	p0 =	sne.s32 s17, $0x0;
	s0 =	rddreg [dreg:$0x2]  }
0x1bd: {  	s0 =	sadd.s32 @!p0 $0x100000, s0  }
0x1be: {  	[sflag:s0] =	ssyncadd.tile.s32 @!p0 $0x1;
	_ =	shalt  }
.LBB2_1:
.Ltmp3:
0x1bf: {  	(pc) =	sbr.rel .LBB2_6-.Ltmp3, $4  }
0x1c0: {  	s18 =	simm.s32 $0xD00;
	s30 =	simm.s32 $0x1040  }
0x1c1: {  	s29 =	simm.s32 $0x1380;
	s28 =	simm.s32 $0x16C0;
	s26 =	simm.s32 $0x1A00  }
0x1c2: {  	s25 =	simm.s32 $0x1D40;
	s24 =	simm.s32 $0x2080;
	s22 =	simm.s32 $0x23C0  }
0x1c3: {  	s21 =	simm.s32 $0x2700;
	s20 =	simm.s32 $0x2A40;
	s19 =	simm.s32 $0x2D80  }
.LBB2_3:
.Ltmp4:
0x1c4: {  	(pc) =	sbr.rel .LBB2_6-.Ltmp4, $4  }
0x1c5: {  	s18 =	simm.s32 $0xD00;
	s30 =	simm.s32 $0x1040;
	s29 =	simm.s32 $0x1380  }
0x1c6: {  	s28 =	simm.s32 $0x16C0;
	s26 =	simm.s32 $0x1A00;
	s25 =	simm.s32 $0x1D40  }
0x1c7: {  	s24 =	simm.s32 $0x2080;
	s22 =	simm.s32 $0x23C0;
	s21 =	simm.s32 $0x2700  }
0x1c8: {  	s20 =	simm.s32 $0x2A40;
	s19 =	simm.s32 $0x2D80;
	s17 =	stileid.u32  }
.Lfunc_end2:
_tile_overlayer_lowered:
.L_overlay_start_2:
0x1c9: {  	(tag) =	ssettag $0x2  }
0x1ca: {  	s0 =	rddreg [dreg:$0x0];
	s2 =	stileid.u32  }
0x1cb: {  	s1 =	rddreg [dreg:$0x1];
	p0 =	sne.s32 s2, $0x0  }
0x1cc: {  	s3 =	rddreg [dreg:$0x2];
	[bflag:$0x3] =	sbarrier.arrive $0xFFFF;
	s2 =	simm.s32 @!p0 $0x1C09  }
0x1cd: {  	[timem:s3], [sflag:s2] =	dma.local @!p0 [hbm:s0], s1  }
0x1ce: {  	s0 =	simm.s32 @!p0 $0x9  }
0x1cf: {  	_ =	swait.ge @!p0 [sflag:s0], s1  }
0x1d0: {  	s1 =	ssub.s32 @!p0 $0x0, s1;
	[sflag:s0] =	ssyncset.done @!p0 $0x0  }
0x1d1: {  	[sflag:s0] =	ssyncadd.s32 @!p0 s1  }
0x1d2: {  	[bflag:$0x3] =	sbarrier.arrive $0xFFFF  }
0x1d3: {  	_ =	shalt  }

// kernel: sparse-core-data-format-call.cloned.1.call-start
scs
called_computation_lowered:
.L_overlay_start_0:
0x0: {  	s2 =	sld [smem:$0x3FD9]  }
0x1: {  	s3 =	sld [smem:$0x3FFE];
	_ =	sdelay $0x1  }
0x2: {  	s1 =	srdreg.scid  }
0x3: {  	s0 =	sand.u32 $0x1, s1  }
0x4: {  	s18 =	sshll.u32 s0, $0xA;
	s2 =	sadd.s32 s3, s2  }
0x5: {  	s2 =	sadd.s32 s2, s18  }
0x6: {  	[smem:$0x3FC6] =	sst s2  }
0x7: {  	_ = 	snop  }
0x8: {  	s2 =	sld [smem:$0x3FD0];
	(tm) =	ssettm $0x1  }
0x9: {  	s19 =	sld [smem:$0x3FFB];
	_ =	sdelay $0x3  }
0xa: {  	_ =	strace s19  }
0xb: {  	s3 =	sld [smem:$0x3FFC];
	_ =	sdelay $0x3  }
0xc: {  	_ =	strace s3  }
0xd: {  	s3 =	sld [smem:$0x3FFD];
	_ =	sdelay $0x3  }
0xe: {  	_ =	strace s3  }
0xf: {  	_ =	strace $0x8FFFFFFF  }
0x10: {  	s20 =	sld [smem:$0x3FDB];
	_ =	sdelay $0x1  }
0x11: {  	s4 =	simm.s32 $_scs_section_size  }
0x12: {  	s5 =	simm.s32 $_size__tile_overlayer_lowered;
	s6 =	simm.s32 $_tile_overlayer_lowered  }
0x13: {  	s23 =	simm.s32 $0x1BFF;
	s22 =	sshll.u32 s6, $0x1;
	s3 =	sadd.s32 s4, s20  }
0x14: {  	s7 =	simm.s32 $0x0;
	s21 =	sshll.u32 s5, $0x1;
	s5 =	sadd.s32 s22, s3  }
0x15: {  	[timem:s7], [sflag:s23] =	dma.local [hbm:s5], s21  }
0x16: {  	_ =	swait.ge [sflag:s23], s21  }
0x17: {  	s4 =	ssub.s32 $0x0, s21;
	[sflag:s23] =	ssyncset.done $0x0  }
0x18: {  	[sflag:s23] =	ssyncadd.s32 s4;
	_ =	sdelay $0x1  }
0x19: {  	s24 =	simm.s32 $0x1B8B  }
0x1a: {  	_ =	swait.ge [sflag:s24], $0x1  }
0x1b: {  	[sflag:s24] =	ssyncset.done $0x0  }
0x1c: {  	s26 =	simm.s32 $0x1B8E;
	s25 =	sld [smem:$0x3FFE];
	[sflag:s24] =	ssyncadd.s32 $0xFFFFFFFF  }
0x1d: {  	s27 =	simm.s32 $execute0_lowered;
	[smem:$0x3FD2] =	sst s26  }
0x1e: {  	s5 =	sshll.u32 s27, $0x1;
	_ =	strace $0x8000004C;
	[dreg:$0x1] =	wrdreg $0xFFFFFFFF  }
0x1f: {  	s28 =	simm.s32 $_size_execute0_lowered;
	s3 =	sadd.s32 s3, s5;
	[dreg:$0x0] =	wrdreg $0x0  }
0x20: {  	s5 =	sshll.u32 s28, $0x1;
	[dreg:$0x2] =	wrdreg s3  }
0x21: {  	[dreg:$0x3] =	wrdreg s5  }
0x22: {  	[dreg:$0x4] =	wrdreg $0xC0  }
0x23: {  	_ =	task [dreg:s7], $0x5FFFF  }
0x24: {  	[dreg:$0x1] =	wrdreg $0xFFFFFFFF  }
0x25: {  	[dreg:$0x0] =	wrdreg $0x60  }
0x26: {  	[dreg:$0x2] =	wrdreg s25  }
0x27: {  	[dreg:$0x3] =	wrdreg s2  }
0x28: {  	[dreg:$0x4] =	wrdreg $0x9  }
0x29: {  	_ =	task.clear_ibuf [dreg:s7], $0x5FFFF;
	_ =	strace $0x9000004C  }
0x2a: {  	s29 =	simm.s32 $0x9;
	_ =	strace $0x8000004E  }
0x2b: {  	_ =	swait.ge [sflag:s29], $0x1  }
0x2c: {  	[sflag:s29] =	ssyncadd.s32 $0xFFFFFFFF  }
0x2d: {  	_ =	strace $0x9000004E  }
0x2e: {  	_ =	sfence  }
0x2f: {  	s30 =	sld [smem:$0x0];
	_ =	sdelay $0x2  }
0x30: {  	s31 =	sshll.u32 s1, $0xD;
	s1 =	sshrl.u32 s1, $0x2  }
0x31: {  	s3 =	sand.u32 $0x4000, s31;
	s1 =	sadd.s32 s1, s30  }
0x32: {  	s0 =	sor.u32 s3, s0;
	s1 =	sshll.u32 s1, $0x11  }
0x33: {  	s0 =	sor.u32 s1, s0  }
0x34: {  	s0 =	sadd.s32 $0x8F2B, s0  }
0x35: {  	[sflag:s0] =	ssyncadd.remote.s32 $0x1  }
0x36: {  	_ =	sfence.sel $0xFFFF  }
0x37: {  	[dreg:$0x0] =	wrdreg $0xFFFFFFFF;
	(pc) =	sbr.abs _section_cstart, $3  }
0x38: {  	[dreg:$0x1] =	wrdreg $0xFFFFFFFF  }
0x39: {  	_ =	task.clear_ibuf [dreg:s7], $0x2FFFF;
	_ =	strace $0x9FFFFFFF  }
0x3a: {  	(tm) =	ssettm $0x7FFFFFFF  }
0x3b: {  	_ =	shalt  }
tec
execute0_lowered:
.L_overlay_start_1:
0x0: {  	(tag) =	ssettag $0x1  }
0x1: {  	s0 =	srdreg.scid  }
0x2: {  	s1 =	sshll.u32 s0, $0x4  }
0x3: {  	s0 =	stileid.u32;
	s1 =	sand.u32 $0x10, s1  }
0x4: {  	s7 =	rddreg [dreg:$0x0];
	s1 =	sor.u32 s0, s1  }
0x5: {  	s4 =	simm.s32 $0x1;
	s8 =	simm.s32 $0x2;
	s2 =	sshll.u32 s1, $0x7  }
0x6: {  	s13 =	simm.s32 $0x0;
	s9 =	simm.s32 $0x20000;
	s1 =	ssub.s32 $0x4000, s2  }
0x7: {  	s14 =	simm.s32 $0x0;
	s11 =	simm.s32 $0x0;
	s3 =	sand.u32 $0xF80, s1  }
0x8: {  	s12 =	simm.s32 $0x0;
	s5 =	sshrl.u32 s1, $0xC;
	p0 =	sne.s32 s3, $0x0  }
.Ltmp0:
0x9: {  	s1 =	rddreg [dreg:$0x2];
	s4 =	simm.s32 @!p0 $0x0;
	(pc) =	sbr.rel .LBB1_1-.Ltmp0, $4  }
0xa: {  	s6 =	sadd.s32 $0xC00, s7;
	s3 =	rddreg [dreg:$0x1];
	s5 =	sadd.s32 s4, s5  }
0xb: {  	_ =	strace $0x8000004D;
	s4 =	simm.s32 $0x1;
	s5 =	smul.u32 $0xD, s5  }
0xc: {  	s7 =	sadd.s32 $0x40C00, s7;
	s10 =	smov.u32 s2;
	[sflag:s4] =	ssyncpa.u1 $0x0  }
0xd: {  	p0 =	por $0x0, $0x0;
	[sflag:s8] =	ssyncpa.u1 $0x0;
	s8 =	sadd.s32 $0x1, s5  }
.LBB1_7:
0xe: {  	s15 =	sadd.s32 $0x1000, s10  }
0xf: {  	s13 =	sadd.s32 $0x2, s11;
	s17 =	smov.u32 s11;
	p2 =	sgt.s32 s15, $0x3FFF  }
0x10: {  	s17 =	smov.u32 @p2 s13  }
0x11: {  	s15 =	smov.u32 @p2 s2;
	p2 =	sgt.s32 s17, $0x19  }
0x12: {  	s17 =	simm.s32 @p2 $0x0;
	p2 =	sne.s32 s12, s8  }
.Ltmp1:
0x13: {  	p1 =	slt.u32 s12, $0x2;
	(pc) =	sbr.rel @!p2 .LBB1_8-.Ltmp1, $4  }
0x14: {  	s16 =	simm.s32 @!p1 $0x2  }
0x15: {  	s14 =	smov.u32 s11;
	p0 =	por !p0, !p0;
	_ =	swait.ge @!p1 [sflag:s16], $0x2000  }
0x16: {  	s13 =	smov.u32 s10;
	[sflag:s16] =	ssyncset.done @!p1 $0x0;
	s10 =	smov.u32 s15  }
0x17: {  	s12 =	sadd.s32 $0x1, s12;
	[sflag:s16] =	ssyncadd.s32 @!p1 $0xFFFFE000;
	s11 =	smov.u32 s17  }
.LBB1_1:
0x18: {  	p1 =	sge.u32 s12, s5  }
0x19: {  	s15 =	sxor.u32 @!p1 $0xFFFFFFFF, s12;
	s16 =	sshll.u32 @!p1 s11, $0x12  }
0x1a: {  	s17 =	sshll.u32 @!p1 s10, $0x4;
	s19 =	simm.s32 @!p1 $0x20;
	s20 =	simm.s32 @!p1 $0x80  }
0x1b: {  	s15 =	sshll.u32 @!p1 s15, $0xD;
	s17 =	sand.u32 @!p1 $0x3FFF0, s17;
	s18 =	sadd.s32 @!p1 s6, s16  }
0x1c: {  	s16 =	sadd.s32 @!p1 s16, s7;
	s15 =	sand.u32 @!p1 $0x2000, s15;
	s18 =	sadd.s32 @!p1 s17, s18  }
0x1d: {  	[tilespmem:s15], [sflag:$0x1] =	stream.strided.gather @!p1 [hbm4b:s18+s19], $0x1000, s20, s19, $0x38;
	[tilespmem:$0x8080] =	vst v63  }
0x1e: {  	s31 =	sadd.s32 $0xFFFFFFFF, s12;
	s16 =	sadd.s32 @!p1 s17, s16;
	s15 =	sor.u32 @!p1 $0x1000, s15  }
0x1f: {  	[tilespmem:s15], [sflag:$0x1] =	stream.strided.gather @!p1 [hbm4b:s16+s19], $0x1000, s20, s19, $0x38;
	[tilespmem:$0x8080] =	vst v63  }
0x20: {  	p1 =	sge.u32 s31, s5  }
.Ltmp2:
0x21: {  	_ = 	snop;
	(pc) =	sbr.rel @p1 .LBB1_7-.Ltmp2, $1  }
0x22: {  	_ =	sdelay $0x3  }
0x23: {  	s15 =	simm.s32 $0x1;
	s17 =	sand.u32 $0x1, s12  }
0x24: {  	_ =	swait.ge [sflag:s4], $0x2000;
	s15 =	simm.s32 @!p0 $0x0;
	s17 =	smul.u32 $0x8100, s17  }
0x25: {  	p2 =	por $0x1, $0x1;
	[sflag:s4] =	ssyncset.done $0x0;
	s16 =	smul.u32 $0x8100, s15  }
0x26: {  	s18 =	sshll.u32 s15, $0xF;
	[sflag:s4] =	ssyncadd.s32 $0xFFFFE000;
	s30 =	sshrl.u32 s17, $0x2  }
0x27: {  	s31 =	sshrl.u32 s18, $0x2;
	s18 =	simm.s32 $0x0;
	s16 =	sshrl.u32 s16, $0x2  }
0x28: {  	s15 =	sor.u32 $0x4000, s30;
	s17 =	sadd.s32 $0x10, s31;
	s16 =	sor.u32 $0x4000, s16  }
.LBB1_3:
0x29: {  	s19 =	sshll.u32 s18, $0xC  }
0x2a: {  	s19 =	sand.u32 $0x3FFFF000, s19  }
0x2b: {  	s20 =	sadd.s32 s19, s17  }
0x2c: {  	s31 =	smul.u32 $0x4080, s18;
	v1 =	vld [tilespmem:s20+$0x0]  }
0x2d: {  	v0 =	vld [tilespmem:s20+$0xFFFFFFF0]  }
0x2e: {  	s18 =	sshra.s32 s31, $0x2  }
0x2f: {  	s18 =	sadd.s32 s18, s16  }
0x30: {  	s21 =	sadd.s32 $0x0, s18  }
0x31: {  	p1 =	por p2, p2;
	s19 =	simm.s32 $0x4;
	s20 =	sadd.s32 $0x20, s20;
	[tilespmem:s21+$0x810 ss:$0x81] =	vst.msk $0xffff, v1  }
.LBB1_4:
0x32: {  	v1 =	vld [tilespmem:s20+$0x0];
	p2 =	sne.s32 s19, $0x1FC;
	[tilespmem:s21+$0x0 ss:$0x81] =	vst.msk $0xffff, v0;
	s21 =	smov.u32 s19;
	s19 =	sadd.s32 $0x4, s19  }
.Ltmp3:
0x33: {  	v0 =	vld [tilespmem:s20+$0xFFFFFFF0];
	(pc) =	sbr.rel @p2 .LBB1_4-.Ltmp3, $4  }
0x34: {  	_ = 	snop  }
0x35: {  	s21 =	sshra.s32 s21, $0x2  }
0x36: {  	s21 =	sadd.s32 s21, s18  }
0x37: {  	s20 =	sadd.s32 $0x20, s20;
	[tilespmem:s21+$0x810 ss:$0x81] =	vst.msk $0xffff, v1  }
.Ltmp4:
0x38: {  	(pc) =	sbr.rel @p1 .LBB1_3-.Ltmp4, $2  }
0x39: {  	_ =	sdelay $0x2  }
0x3a: {  	[tilespmem:s21+$0x0 ss:$0x81] =	vst.msk $0xffff, v0;
	s18 =	simm.s32 $0x1;
	p2 =	por $0x0, $0x0  }
0x3b: {  	s16 =	sshll.u32 s13, $0x3;
	s17 =	sand.u32 $0x78, s13;
	s14 =	sshll.u32 s14, $0x10  }
.Ltmp5:
0x3c: {  	s30 =	sand.u32 $0xF800, s13;
	s16 =	sand.u32 $0x3C00, s16;
	(pc) =	sbr.rel .LBB1_7-.Ltmp5, $4  }
0x3d: {  	s31 =	sand.u32 $0x7, s13;
	s14 =	sadd.s32 s3, s14;
	s16 =	sor.u32 s17, s16  }
0x3e: {  	s13 =	sshll.u32 s31, $0x12;
	s14 =	sadd.s32 s30, s14;
	s16 =	sshrl.u32 s16, $0x3  }
0x3f: {  	s13 =	sor.u32 $0x400, s13;
	s14 =	sadd.s32 s16, s14  }
0x40: {  	[hbm4b:s14+s13] =	stream.strided.scatter [tilespmem:s15], [sflag:$0x2], $0x2000, s9, s13, $0x20;
	[tilespmem:$0x8080] =	vst v63  }
.LBB1_8:
0x41: {  	_ =	sfence.sel $0x180000  }
0x42: {  	s2 =	simm.s32 $0x1;
	[bflag:$0x0] =	sbarrier.arrive $0xFFFF  }
0x43: {  	s31 =	simm.s32 $0x2;
	[sflag:s2] =	ssyncpa.u1 $0x1  }
0x44: {  	[sflag:s31] =	ssyncpa.u1 $0x1  }
0x45: {  	p0 =	sne.s32 s0, $0x0;
	_ =	strace $0x9000004D  }
0x46: {  	s0 =	sadd.s32 @!p0 $0x100000, s1;
	[bflag:$0x2] =	sbarrier.arrive $0xFFFF  }
0x47: {  	[sflag:s0] =	ssyncadd.tile.s32 @!p0 $0x1;
	_ =	shalt  }
.Lfunc_end1:
_tile_overlayer_lowered:
.L_overlay_start_2:
0x48: {  	(tag) =	ssettag $0x2  }
0x49: {  	s0 =	rddreg [dreg:$0x0];
	s2 =	stileid.u32  }
0x4a: {  	s1 =	rddreg [dreg:$0x1];
	p0 =	sne.s32 s2, $0x0  }
0x4b: {  	s3 =	rddreg [dreg:$0x2];
	[bflag:$0x3] =	sbarrier.arrive $0xFFFF;
	s2 =	simm.s32 @!p0 $0x1C01  }
0x4c: {  	[timem:s3], [sflag:s2] =	dma.local @!p0 [hbm:s0], s1  }
0x4d: {  	s0 =	simm.s32 @!p0 $0x1  }
0x4e: {  	_ =	swait.ge @!p0 [sflag:s0], s1  }
0x4f: {  	s1 =	ssub.s32 @!p0 $0x0, s1;
	[sflag:s0] =	ssyncset.done @!p0 $0x0  }
0x50: {  	[sflag:s0] =	ssyncadd.s32 @!p0 s1  }
0x51: {  	[bflag:$0x3] =	sbarrier.arrive $0xFFFF  }
0x52: {  	_ =	shalt  }

</sc_bundles>
